<compile_context>
chip_gen: v7x
topology: tpu7x:2x2x1
jax: 0.10.2.dev20260603
libtpu: 0.0.44.dev20260713+nightly
codegen_flags: <defaults>
</compile_context>

<pallas_src>
import functools

import jax
import jax.numpy as jnp
from jax import lax
from jax.experimental import pallas as pl
from jax.experimental.pallas import tpu as pltpu
from jax.experimental.pallas import tpu_sc as plsc

N_GRAPHS = 1024
LANES = 16
N_SUBCORES = 16
UNROLL = 8
N_REGIONS = 4


@functools.lru_cache(maxsize=None)
def _build_sc_call(n_nodes, n_species, n_graphs):
    chunk = -(-n_nodes // (N_SUBCORES * 8)) * 8
    terr = -(-chunk // LANES)
    if terr % 2 == 0:
        terr += 1
    pad_n = terr * LANES
    chunk = min(chunk, n_nodes)
    last = N_SUBCORES - 1
    valid_last = n_nodes - last * chunk
    fill_last = valid_last - valid_last % LANES
    w_pad = -(-n_species // LANES) * LANES
    rstride = n_graphs + 17
    acc16_len = -(-(N_REGIONS * rstride) // LANES) * LANES
    acc_len = n_graphs
    span = 128
    n_comb = n_graphs // span
    span_vregs = span // LANES

    mesh = plsc.VectorSubcoreMesh(
        core_axis_name="c", subcore_axis_name="s", num_cores=1
    )

    @functools.partial(
        pl.kernel,
        out_type=jax.ShapeDtypeStruct((n_graphs,), jnp.float32),
        mesh=mesh,
        compiler_params=pltpu.CompilerParams(needs_layout_passes=False),
        scratch_types=[
            pltpu.VMEM((pad_n,), jnp.int32),
            pltpu.VMEM((pad_n,), jnp.int32),
            pltpu.VMEM((w_pad,), jnp.float32),
            pltpu.VMEM((w_pad,), jnp.float32),
            pltpu.VMEM((acc16_len,), jnp.float32),
            pltpu.VMEM((acc_len,), jnp.float32),
            pltpu.VMEM((LANES,), jnp.int32),
            pltpu.VMEM((N_SUBCORES, LANES), jnp.int32),
            pltpu.VMEM((N_SUBCORES, span), jnp.float32),
            pltpu.VMEM((span,), jnp.float32),
            pltpu.VMEM_SHARED((N_SUBCORES, LANES), jnp.int32),
            pltpu.VMEM_SHARED((N_SUBCORES, acc_len), jnp.float32),
        ],
    )
    def sc_call(idx_hbm, bat_hbm, w_hbm, out_hbm,
                idx_v, bat_v, w_v, w_eff, acc16_v, acc_v, min_v, gmin_v,
                comb_v, out_v, mins_sh, acc_sh):
        tid = lax.axis_index("s")
        base = tid * chunk
        pad_i = jnp.full((LANES,), n_species - 1, jnp.int32)
        pad_b = jnp.full((LANES,), n_graphs, jnp.int32)
        lane = lax.iota(jnp.int32, LANES)

        def fill_tail(valid, fill_from):
            for j in range(fill_from, pad_n, LANES):
                if j + LANES <= valid:
                    continue
                if j < valid:
                    keep = (lane + (j - valid)) < 0
                    idx_v[pl.ds(j, LANES)] = jnp.where(
                        keep, idx_v[pl.ds(j, LANES)], pad_i)
                    bat_v[pl.ds(j, LANES)] = jnp.where(
                        keep, bat_v[pl.ds(j, LANES)], pad_b)
                else:
                    idx_v[pl.ds(j, LANES)] = pad_i
                    bat_v[pl.ds(j, LANES)] = pad_b

        @pl.when(tid < last)
        def _():
            pltpu.sync_copy(idx_hbm.at[pl.ds(base, chunk)],
                            idx_v.at[pl.ds(0, chunk)])
            pltpu.sync_copy(bat_hbm.at[pl.ds(base, chunk)],
                            bat_v.at[pl.ds(0, chunk)])
            pltpu.sync_copy(w_hbm, w_v.at[pl.ds(0, n_species)])
            fill_tail(chunk, chunk - chunk % LANES)

        @pl.when(tid == last)
        def _():
            pltpu.sync_copy(idx_hbm.at[pl.ds(base, valid_last)],
                            idx_v.at[pl.ds(0, valid_last)])
            pltpu.sync_copy(bat_hbm.at[pl.ds(base, valid_last)],
                            bat_v.at[pl.ds(0, valid_last)])
            pltpu.sync_copy(w_hbm, w_v.at[pl.ds(0, n_species)])
            fill_tail(valid_last, fill_last)

        n_mv = pad_n // LANES

        def min_body(jo, m):
            for u in range(UNROLL):
                m = jnp.minimum(
                    m, idx_v[pl.ds((jo * UNROLL + u) * LANES, LANES)])
            return m

        m = jnp.full((LANES,), 2**30, jnp.int32)
        m = lax.fori_loop(0, n_mv // UNROLL, min_body, m)
        for j in range((n_mv // UNROLL) * UNROLL, n_mv):
            m = jnp.minimum(m, idx_v[pl.ds(j * LANES, LANES)])
        min_v[...] = m
        pltpu.sync_copy(min_v, mins_sh.at[tid])

        def zero_body(j, carry):
            acc16_v[pl.ds(j * LANES, LANES)] = jnp.zeros((LANES,), jnp.float32)
            return carry

        lax.fori_loop(0, acc16_len // LANES, zero_body, 0)
        plsc.subcore_barrier()

        pltpu.sync_copy(mins_sh, gmin_v)

        def gmin_body(k, mm):
            return jnp.minimum(mm, gmin_v[k, :])

        mm = lax.fori_loop(
            0, N_SUBCORES, gmin_body, jnp.full((LANES,), 2**30, jnp.int32),
        )
        gmin = mm[0]
        for k in range(1, LANES):
            gmin = jnp.minimum(gmin, mm[k])
        shift = jnp.where(gmin >= 1, jnp.int32(1), jnp.int32(0))

        for k in range(w_pad // LANES):
            src = jnp.maximum(lane + (k * LANES) - shift, 0)
            w_eff[pl.ds(k * LANES, LANES)] = plsc.load_gather(w_v, [src])

        reg_off = (lane % N_REGIONS) * rstride

        def step(pos):
            i = plsc.load_gather(idx_v, [pos])
            b = plsc.load_gather(bat_v, [pos])
            v = plsc.load_gather(w_eff, [i])
            plsc.addupdate_scatter(acc16_v, [b + reg_off], v)
            return pos + 1

        def main_body(to, pos):
            for _ in range(UNROLL):
                pos = step(pos)
            return pos

        pos = lane * terr
        pos = lax.fori_loop(0, terr // UNROLL, main_body, pos)
        for _ in range(terr % UNROLL):
            pos = step(pos)

        def merge_body(j, carry):
            s = acc16_v[pl.ds(j * LANES, LANES)]
            for r in range(1, N_REGIONS):
                s = s + acc16_v[pl.ds(r * rstride + j * LANES, LANES)]
            acc_v[pl.ds(j * LANES, LANES)] = s
            return carry

        lax.fori_loop(0, acc_len // LANES, merge_body, 0)

        pltpu.sync_copy(acc_v, acc_sh.at[tid])
        plsc.subcore_barrier()

        @pl.when(tid < n_comb)
        def _():
            pltpu.sync_copy(acc_sh.at[:, pl.ds(tid * span, span)], comb_v)

            def comb_body(k, carry):
                return tuple(
                    carry[c] + comb_v[k, pl.ds(c * LANES, LANES)]
                    for c in range(span_vregs)
                )

            ss = lax.fori_loop(
                0, N_SUBCORES, comb_body,
                tuple(jnp.zeros((LANES,), jnp.float32)
                      for _ in range(span_vregs)),
            )
            for c in range(span_vregs):
                out_v[pl.ds(c * LANES, LANES)] = ss[c]
            pltpu.sync_copy(out_v, out_hbm.at[pl.ds(tid * span, span)])

    return sc_call


@jax.jit
def kernel(node_feats, batch, ref_weight):
    n_nodes = node_feats.shape[0]
    n_species, out_dim = ref_weight.shape
    idx = node_feats[:, 0].astype(jnp.int32)
    sc_call = _build_sc_call(n_nodes, n_species, N_GRAPHS)
    out = sc_call(idx, batch.astype(jnp.int32), ref_weight[:, 0])
    return out.reshape(N_GRAPHS, out_dim)

# --- scband reference (transcript-rebuilt; emitter-appended) ---
"""Pipeline reference for scband-atom-ref-60919816127134 (READ-ONLY COPY).

The authoritative reference and input builder live on the scoring server;
editing this copy changes nothing except your own understanding.
"""

import jax, jax.numpy as jnp
import numpy as np

N_SPECIES = 86
OUTPUT_DIM = 1
N_NODES = 100000
N_GRAPHS = 1024


def setup_inputs(seed: int = 0) -> dict:
    key = jax.random.key(seed)
    k1, k2, k3 = jax.random.split(key, 3)
    node_feats = jax.random.randint(k1, (N_NODES, 1), 0, N_SPECIES, dtype=jnp.int32)
    batch = jnp.sort(jax.random.randint(k2, (N_NODES,), 0, N_GRAPHS, dtype=jnp.int32))
    # Learned per-species reference table (nn.Embedding weight). Initialized to zeros in the
    # original module, but use random values so the computation is non-trivial.
    ref_weight = jax.random.normal(k3, (N_SPECIES, OUTPUT_DIM), dtype=jnp.float32)
    return {"node_feats": node_feats, "batch": batch, "ref_weight": ref_weight}


def _infer_species_indices(node_feats, n_species):
    # (N, 1) integer-like layout -> take first column
    idx = node_feats[:, 0].astype(jnp.int32)
    idx_min = jnp.min(idx)
    idx_max = jnp.max(idx)
    # If indices look 1-based (min >= 1 and max <= n_species), shift down by 1
    shift = jnp.where((idx_min >= 1) & (idx_max <= n_species), 1, 0).astype(jnp.int32)
    idx = idx - shift
    return jnp.clip(idx, 0, max(n_species - 1, 0))


def reference(node_feats, batch, ref_weight):
    idx = _infer_species_indices(node_feats, ref_weight.shape[0])
    # embedding lookup
    atom_refs = jnp.take(ref_weight, idx, axis=0)  # (N, output_dim)
    # global_add_pool == segment sum over graphs
    out = jax.ops.segment_sum(atom_refs, batch, num_segments=N_GRAPHS)
    return out

if __name__ == "__main__":
    import jax
    _d = setup_inputs()
    print(jax.jit(kernel)(*tuple(_d.values())))

</pallas_src>

<mosaic_0001>
#map = affine_map<(d0, d1) -> (0)>
module attributes {stable_mosaic.version = 14 : i64} {
  func.func @sc_call(%arg0: i32, %arg1: i32, %arg2: memref<100000xi32, #tpu.memory_space<hbm>>, %arg3: memref<100000xi32, #tpu.memory_space<hbm>>, %arg4: memref<86xf32, #tpu.memory_space<hbm>>, %arg5: memref<1024xf32, #tpu.memory_space<hbm>>, %arg6: memref<6256xi32, #tpu.memory_space<vmem>>, %arg7: memref<6256xi32, #tpu.memory_space<vmem>>, %arg8: memref<96xf32, #tpu.memory_space<vmem>>, %arg9: memref<96xf32, #tpu.memory_space<vmem>>, %arg10: memref<4176xf32, #tpu.memory_space<vmem>>, %arg11: memref<1024xf32, #tpu.memory_space<vmem>>, %arg12: memref<16xi32, #tpu.memory_space<vmem>>, %arg13: memref<16x16xi32, #tpu.memory_space<vmem>>, %arg14: memref<16x128xf32, #tpu.memory_space<vmem>>, %arg15: memref<128xf32, #tpu.memory_space<vmem>>, %arg16: memref<16x16xi32, #tpu.memory_space<vmem_shared>>, %arg17: memref<16x1024xf32, #tpu.memory_space<vmem_shared>>) attributes {dimension_semantics = [#tpu.dimension_semantics<core_parallel>, #tpu.dimension_semantics<subcore_parallel>], iteration_bounds = array<i64: 1, 16>, scalar_prefetch = 0 : i64, scratch_operands = 12 : i64, tpu.core_type = #tpu.core_type<sc_vector_subcore>, window_params = [{transform_indices = #map}, {transform_indices = #map}, {transform_indices = #map}, {transform_indices = #map}]} {
    %mul3A = arith.constant 6256 : i32
    %mul3A_0 = arith.muli %arg1, %mul3A : i32
    %broadcast_in_dim3A = arith.constant 85 : i32
    %broadcast_in_dim3A_1 = vector.broadcast %broadcast_in_dim3A : i32 to vector<16xi32>
    %broadcast_in_dim3A_2 = arith.constant 1024 : i32
    %broadcast_in_dim3A_3 = vector.broadcast %broadcast_in_dim3A_2 : i32 to vector<16xi32>
    %iota3A = tpu.iota {dimensions = array<i32: 0>} : vector<16xi32>
    %lt3A = arith.constant 15 : i32
    %lt3A_4 = arith.cmpi slt, %arg1, %lt3A : i32
    %convert_element_type3A = arith.extui %lt3A_4 : i1 to i32
    %cond3A = arith.constant 0 : i32
    %cond3A_5 = arith.cmpi ne, %convert_element_type3A, %cond3A : i32
    scf.if %cond3A_5 {
      "tpu.region"() ({
        %run_scoped3A = tpu.sem_alloc : memref<!tpu.dma_semaphore, #tpu.memory_space<semaphore_mem>>
        %dma_start3A = arith.constant 0 : i32
        %dma_start3A_252 = tpu.memref_slice %arg6[%dma_start3A] : memref<6256xi32, #tpu.memory_space<vmem>> -> memref<6256xi32, #tpu.memory_space<vmem>>
        %dma_start3A_253 = tpu.memref_slice %arg2[%mul3A_0] : memref<100000xi32, #tpu.memory_space<hbm>> -> memref<6256xi32, #tpu.memory_space<hbm>>
        %dma_start3A_254 = arith.constant 0 : i32
        %dma_start3A_255 = tpu.memref_slice %arg6[%dma_start3A_254] : memref<6256xi32, #tpu.memory_space<vmem>> -> memref<6256xi32, #tpu.memory_space<vmem>>
        %dma_start3A_256 = tpu.memref_slice %arg2[%mul3A_0] : memref<100000xi32, #tpu.memory_space<hbm>> -> memref<6256xi32, #tpu.memory_space<hbm>>
        tpu.enqueue_dma source(%dma_start3A_256 : memref<6256xi32, #tpu.memory_space<hbm>>) target(%dma_start3A_255 : memref<6256xi32, #tpu.memory_space<vmem>>) target_semaphore(%run_scoped3A : memref<!tpu.dma_semaphore, #tpu.memory_space<semaphore_mem>>)
        %dma_wait3A = arith.constant 0 : i32
        %dma_wait3A_257 = tpu.memref_slice %arg6[%dma_wait3A] : memref<6256xi32, #tpu.memory_space<vmem>> -> memref<6256xi32, #tpu.memory_space<vmem>>
        %dma_wait3A_258 = tpu.memref_slice %arg2[%mul3A_0] : memref<100000xi32, #tpu.memory_space<hbm>> -> memref<6256xi32, #tpu.memory_space<hbm>>
        %dma_wait3A_259 = arith.constant 0 : i32
        %dma_wait3A_260 = tpu.memref_slice %arg6[%dma_wait3A_259] : memref<6256xi32, #tpu.memory_space<vmem>> -> memref<6256xi32, #tpu.memory_space<vmem>>
        %dma_wait3A_261 = tpu.memref_slice %arg2[%mul3A_0] : memref<100000xi32, #tpu.memory_space<hbm>> -> memref<6256xi32, #tpu.memory_space<hbm>>
        tpu.wait_dma2 semaphore(%run_scoped3A : memref<!tpu.dma_semaphore, #tpu.memory_space<semaphore_mem>>) src(%dma_wait3A_261 : memref<6256xi32, #tpu.memory_space<hbm>>) dst(%dma_wait3A_260 : memref<6256xi32, #tpu.memory_space<vmem>>)
        tpu.yield
      }) : () -> ()
      "tpu.region"() ({
        %run_scoped3A = tpu.sem_alloc : memref<!tpu.dma_semaphore, #tpu.memory_space<semaphore_mem>>
        %dma_start3A = arith.constant 0 : i32
        %dma_start3A_252 = tpu.memref_slice %arg7[%dma_start3A] : memref<6256xi32, #tpu.memory_space<vmem>> -> memref<6256xi32, #tpu.memory_space<vmem>>
        %dma_start3A_253 = tpu.memref_slice %arg3[%mul3A_0] : memref<100000xi32, #tpu.memory_space<hbm>> -> memref<6256xi32, #tpu.memory_space<hbm>>
        %dma_start3A_254 = arith.constant 0 : i32
        %dma_start3A_255 = tpu.memref_slice %arg7[%dma_start3A_254] : memref<6256xi32, #tpu.memory_space<vmem>> -> memref<6256xi32, #tpu.memory_space<vmem>>
        %dma_start3A_256 = tpu.memref_slice %arg3[%mul3A_0] : memref<100000xi32, #tpu.memory_space<hbm>> -> memref<6256xi32, #tpu.memory_space<hbm>>
        tpu.enqueue_dma source(%dma_start3A_256 : memref<6256xi32, #tpu.memory_space<hbm>>) target(%dma_start3A_255 : memref<6256xi32, #tpu.memory_space<vmem>>) target_semaphore(%run_scoped3A : memref<!tpu.dma_semaphore, #tpu.memory_space<semaphore_mem>>)
        %dma_wait3A = arith.constant 0 : i32
        %dma_wait3A_257 = tpu.memref_slice %arg7[%dma_wait3A] : memref<6256xi32, #tpu.memory_space<vmem>> -> memref<6256xi32, #tpu.memory_space<vmem>>
        %dma_wait3A_258 = tpu.memref_slice %arg3[%mul3A_0] : memref<100000xi32, #tpu.memory_space<hbm>> -> memref<6256xi32, #tpu.memory_space<hbm>>
        %dma_wait3A_259 = arith.constant 0 : i32
        %dma_wait3A_260 = tpu.memref_slice %arg7[%dma_wait3A_259] : memref<6256xi32, #tpu.memory_space<vmem>> -> memref<6256xi32, #tpu.memory_space<vmem>>
        %dma_wait3A_261 = tpu.memref_slice %arg3[%mul3A_0] : memref<100000xi32, #tpu.memory_space<hbm>> -> memref<6256xi32, #tpu.memory_space<hbm>>
        tpu.wait_dma2 semaphore(%run_scoped3A : memref<!tpu.dma_semaphore, #tpu.memory_space<semaphore_mem>>) src(%dma_wait3A_261 : memref<6256xi32, #tpu.memory_space<hbm>>) dst(%dma_wait3A_260 : memref<6256xi32, #tpu.memory_space<vmem>>)
        tpu.yield
      }) : () -> ()
      "tpu.region"() ({
        %run_scoped3A = tpu.sem_alloc : memref<!tpu.dma_semaphore, #tpu.memory_space<semaphore_mem>>
        %dma_start3A = arith.constant 0 : i32
        %dma_start3A_252 = tpu.memref_slice %arg8[%dma_start3A] : memref<96xf32, #tpu.memory_space<vmem>> -> memref<86xf32, #tpu.memory_space<vmem>>
        %dma_start3A_253 = arith.constant 0 : i32
        %dma_start3A_254 = tpu.memref_slice %arg8[%dma_start3A_253] : memref<96xf32, #tpu.memory_space<vmem>> -> memref<86xf32, #tpu.memory_space<vmem>>
        tpu.enqueue_dma source(%arg4 : memref<86xf32, #tpu.memory_space<hbm>>) target(%dma_start3A_254 : memref<86xf32, #tpu.memory_space<vmem>>) target_semaphore(%run_scoped3A : memref<!tpu.dma_semaphore, #tpu.memory_space<semaphore_mem>>)
        %dma_wait3A = arith.constant 0 : i32
        %dma_wait3A_255 = tpu.memref_slice %arg8[%dma_wait3A] : memref<96xf32, #tpu.memory_space<vmem>> -> memref<86xf32, #tpu.memory_space<vmem>>
        %dma_wait3A_256 = arith.constant 0 : i32
        %dma_wait3A_257 = tpu.memref_slice %arg8[%dma_wait3A_256] : memref<96xf32, #tpu.memory_space<vmem>> -> memref<86xf32, #tpu.memory_space<vmem>>
        tpu.wait_dma2 semaphore(%run_scoped3A : memref<!tpu.dma_semaphore, #tpu.memory_space<semaphore_mem>>) src(%arg4 : memref<86xf32, #tpu.memory_space<hbm>>) dst(%dma_wait3A_257 : memref<86xf32, #tpu.memory_space<vmem>>)
        tpu.yield
      }) : () -> ()
    } else {
    }
    %eq3A = arith.constant 15 : i32
    %eq3A_6 = arith.cmpi eq, %arg1, %eq3A : i32
    %convert_element_type3A_7 = arith.extui %eq3A_6 : i1 to i32
    %cond3A_8 = arith.constant 0 : i32
    %cond3A_9 = arith.cmpi ne, %convert_element_type3A_7, %cond3A_8 : i32
    scf.if %cond3A_9 {
      "tpu.region"() ({
        %run_scoped3A = tpu.sem_alloc : memref<!tpu.dma_semaphore, #tpu.memory_space<semaphore_mem>>
        %dma_start3A = arith.constant 0 : i32
        %dma_start3A_276 = tpu.memref_slice %arg6[%dma_start3A] : memref<6256xi32, #tpu.memory_space<vmem>> -> memref<6160xi32, #tpu.memory_space<vmem>>
        %dma_start3A_277 = tpu.memref_slice %arg2[%mul3A_0] : memref<100000xi32, #tpu.memory_space<hbm>> -> memref<6160xi32, #tpu.memory_space<hbm>>
        %dma_start3A_278 = arith.constant 0 : i32
        %dma_start3A_279 = tpu.memref_slice %arg6[%dma_start3A_278] : memref<6256xi32, #tpu.memory_space<vmem>> -> memref<6160xi32, #tpu.memory_space<vmem>>
        %dma_start3A_280 = tpu.memref_slice %arg2[%mul3A_0] : memref<100000xi32, #tpu.memory_space<hbm>> -> memref<6160xi32, #tpu.memory_space<hbm>>
        tpu.enqueue_dma source(%dma_start3A_280 : memref<6160xi32, #tpu.memory_space<hbm>>) target(%dma_start3A_279 : memref<6160xi32, #tpu.memory_space<vmem>>) target_semaphore(%run_scoped3A : memref<!tpu.dma_semaphore, #tpu.memory_space<semaphore_mem>>)
        %dma_wait3A = arith.constant 0 : i32
        %dma_wait3A_281 = tpu.memref_slice %arg6[%dma_wait3A] : memref<6256xi32, #tpu.memory_space<vmem>> -> memref<6160xi32, #tpu.memory_space<vmem>>
        %dma_wait3A_282 = tpu.memref_slice %arg2[%mul3A_0] : memref<100000xi32, #tpu.memory_space<hbm>> -> memref<6160xi32, #tpu.memory_space<hbm>>
        %dma_wait3A_283 = arith.constant 0 : i32
        %dma_wait3A_284 = tpu.memref_slice %arg6[%dma_wait3A_283] : memref<6256xi32, #tpu.memory_space<vmem>> -> memref<6160xi32, #tpu.memory_space<vmem>>
        %dma_wait3A_285 = tpu.memref_slice %arg2[%mul3A_0] : memref<100000xi32, #tpu.memory_space<hbm>> -> memref<6160xi32, #tpu.memory_space<hbm>>
        tpu.wait_dma2 semaphore(%run_scoped3A : memref<!tpu.dma_semaphore, #tpu.memory_space<semaphore_mem>>) src(%dma_wait3A_285 : memref<6160xi32, #tpu.memory_space<hbm>>) dst(%dma_wait3A_284 : memref<6160xi32, #tpu.memory_space<vmem>>)
        tpu.yield
      }) : () -> ()
      "tpu.region"() ({
        %run_scoped3A = tpu.sem_alloc : memref<!tpu.dma_semaphore, #tpu.memory_space<semaphore_mem>>
        %dma_start3A = arith.constant 0 : i32
        %dma_start3A_276 = tpu.memref_slice %arg7[%dma_start3A] : memref<6256xi32, #tpu.memory_space<vmem>> -> memref<6160xi32, #tpu.memory_space<vmem>>
        %dma_start3A_277 = tpu.memref_slice %arg3[%mul3A_0] : memref<100000xi32, #tpu.memory_space<hbm>> -> memref<6160xi32, #tpu.memory_space<hbm>>
        %dma_start3A_278 = arith.constant 0 : i32
        %dma_start3A_279 = tpu.memref_slice %arg7[%dma_start3A_278] : memref<6256xi32, #tpu.memory_space<vmem>> -> memref<6160xi32, #tpu.memory_space<vmem>>
        %dma_start3A_280 = tpu.memref_slice %arg3[%mul3A_0] : memref<100000xi32, #tpu.memory_space<hbm>> -> memref<6160xi32, #tpu.memory_space<hbm>>
        tpu.enqueue_dma source(%dma_start3A_280 : memref<6160xi32, #tpu.memory_space<hbm>>) target(%dma_start3A_279 : memref<6160xi32, #tpu.memory_space<vmem>>) target_semaphore(%run_scoped3A : memref<!tpu.dma_semaphore, #tpu.memory_space<semaphore_mem>>)
        %dma_wait3A = arith.constant 0 : i32
        %dma_wait3A_281 = tpu.memref_slice %arg7[%dma_wait3A] : memref<6256xi32, #tpu.memory_space<vmem>> -> memref<6160xi32, #tpu.memory_space<vmem>>
        %dma_wait3A_282 = tpu.memref_slice %arg3[%mul3A_0] : memref<100000xi32, #tpu.memory_space<hbm>> -> memref<6160xi32, #tpu.memory_space<hbm>>
        %dma_wait3A_283 = arith.constant 0 : i32
        %dma_wait3A_284 = tpu.memref_slice %arg7[%dma_wait3A_283] : memref<6256xi32, #tpu.memory_space<vmem>> -> memref<6160xi32, #tpu.memory_space<vmem>>
        %dma_wait3A_285 = tpu.memref_slice %arg3[%mul3A_0] : memref<100000xi32, #tpu.memory_space<hbm>> -> memref<6160xi32, #tpu.memory_space<hbm>>
        tpu.wait_dma2 semaphore(%run_scoped3A : memref<!tpu.dma_semaphore, #tpu.memory_space<semaphore_mem>>) src(%dma_wait3A_285 : memref<6160xi32, #tpu.memory_space<hbm>>) dst(%dma_wait3A_284 : memref<6160xi32, #tpu.memory_space<vmem>>)
        tpu.yield
      }) : () -> ()
      "tpu.region"() ({
        %run_scoped3A = tpu.sem_alloc : memref<!tpu.dma_semaphore, #tpu.memory_space<semaphore_mem>>
        %dma_start3A = arith.constant 0 : i32
        %dma_start3A_276 = tpu.memref_slice %arg8[%dma_start3A] : memref<96xf32, #tpu.memory_space<vmem>> -> memref<86xf32, #tpu.memory_space<vmem>>
        %dma_start3A_277 = arith.constant 0 : i32
        %dma_start3A_278 = tpu.memref_slice %arg8[%dma_start3A_277] : memref<96xf32, #tpu.memory_space<vmem>> -> memref<86xf32, #tpu.memory_space<vmem>>
        tpu.enqueue_dma source(%arg4 : memref<86xf32, #tpu.memory_space<hbm>>) target(%dma_start3A_278 : memref<86xf32, #tpu.memory_space<vmem>>) target_semaphore(%run_scoped3A : memref<!tpu.dma_semaphore, #tpu.memory_space<semaphore_mem>>)
        %dma_wait3A = arith.constant 0 : i32
        %dma_wait3A_279 = tpu.memref_slice %arg8[%dma_wait3A] : memref<96xf32, #tpu.memory_space<vmem>> -> memref<86xf32, #tpu.memory_space<vmem>>
        %dma_wait3A_280 = arith.constant 0 : i32
        %dma_wait3A_281 = tpu.memref_slice %arg8[%dma_wait3A_280] : memref<96xf32, #tpu.memory_space<vmem>> -> memref<86xf32, #tpu.memory_space<vmem>>
        tpu.wait_dma2 semaphore(%run_scoped3A : memref<!tpu.dma_semaphore, #tpu.memory_space<semaphore_mem>>) src(%arg4 : memref<86xf32, #tpu.memory_space<hbm>>) dst(%dma_wait3A_281 : memref<86xf32, #tpu.memory_space<vmem>>)
        tpu.yield
      }) : () -> ()
      %swap3A_252 = arith.constant 6160 : index
      %swap3A_253 = tpu.vector_load %arg6[%swap3A_252] {strides = array<i32>} : memref<6256xi32, #tpu.memory_space<vmem>>, vector<16xi32>,
      tpu.vector_store %arg6[%swap3A_252], %broadcast_in_dim3A_1 {strides = array<i32>} : memref<6256xi32, #tpu.memory_space<vmem>>, vector<16xi32>,
      %swap3A_254 = arith.constant 6160 : index
      %swap3A_255 = tpu.vector_load %arg7[%swap3A_254] {strides = array<i32>} : memref<6256xi32, #tpu.memory_space<vmem>>, vector<16xi32>,
      tpu.vector_store %arg7[%swap3A_254], %broadcast_in_dim3A_3 {strides = array<i32>} : memref<6256xi32, #tpu.memory_space<vmem>>, vector<16xi32>,
      %swap3A_256 = arith.constant 6176 : index
      %swap3A_257 = tpu.vector_load %arg6[%swap3A_256] {strides = array<i32>} : memref<6256xi32, #tpu.memory_space<vmem>>, vector<16xi32>,
      tpu.vector_store %arg6[%swap3A_256], %broadcast_in_dim3A_1 {strides = array<i32>} : memref<6256xi32, #tpu.memory_space<vmem>>, vector<16xi32>,
      %swap3A_258 = arith.constant 6176 : index
      %swap3A_259 = tpu.vector_load %arg7[%swap3A_258] {strides = array<i32>} : memref<6256xi32, #tpu.memory_space<vmem>>, vector<16xi32>,
      tpu.vector_store %arg7[%swap3A_258], %broadcast_in_dim3A_3 {strides = array<i32>} : memref<6256xi32, #tpu.memory_space<vmem>>, vector<16xi32>,
      %swap3A_260 = arith.constant 6192 : index
      %swap3A_261 = tpu.vector_load %arg6[%swap3A_260] {strides = array<i32>} : memref<6256xi32, #tpu.memory_space<vmem>>, vector<16xi32>,
      tpu.vector_store %arg6[%swap3A_260], %broadcast_in_dim3A_1 {strides = array<i32>} : memref<6256xi32, #tpu.memory_space<vmem>>, vector<16xi32>,
      %swap3A_262 = arith.constant 6192 : index
      %swap3A_263 = tpu.vector_load %arg7[%swap3A_262] {strides = array<i32>} : memref<6256xi32, #tpu.memory_space<vmem>>, vector<16xi32>,
      tpu.vector_store %arg7[%swap3A_262], %broadcast_in_dim3A_3 {strides = array<i32>} : memref<6256xi32, #tpu.memory_space<vmem>>, vector<16xi32>,
      %swap3A_264 = arith.constant 6208 : index
      %swap3A_265 = tpu.vector_load %arg6[%swap3A_264] {strides = array<i32>} : memref<6256xi32, #tpu.memory_space<vmem>>, vector<16xi32>,
      tpu.vector_store %arg6[%swap3A_264], %broadcast_in_dim3A_1 {strides = array<i32>} : memref<6256xi32, #tpu.memory_space<vmem>>, vector<16xi32>,
      %swap3A_266 = arith.constant 6208 : index
      %swap3A_267 = tpu.vector_load %arg7[%swap3A_266] {strides = array<i32>} : memref<6256xi32, #tpu.memory_space<vmem>>, vector<16xi32>,
      tpu.vector_store %arg7[%swap3A_266], %broadcast_in_dim3A_3 {strides = array<i32>} : memref<6256xi32, #tpu.memory_space<vmem>>, vector<16xi32>,
      %swap3A_268 = arith.constant 6224 : index
      %swap3A_269 = tpu.vector_load %arg6[%swap3A_268] {strides = array<i32>} : memref<6256xi32, #tpu.memory_space<vmem>>, vector<16xi32>,
      tpu.vector_store %arg6[%swap3A_268], %broadcast_in_dim3A_1 {strides = array<i32>} : memref<6256xi32, #tpu.memory_space<vmem>>, vector<16xi32>,
      %swap3A_270 = arith.constant 6224 : index
      %swap3A_271 = tpu.vector_load %arg7[%swap3A_270] {strides = array<i32>} : memref<6256xi32, #tpu.memory_space<vmem>>, vector<16xi32>,
      tpu.vector_store %arg7[%swap3A_270], %broadcast_in_dim3A_3 {strides = array<i32>} : memref<6256xi32, #tpu.memory_space<vmem>>, vector<16xi32>,
      %swap3A_272 = arith.constant 6240 : index
      %swap3A_273 = tpu.vector_load %arg6[%swap3A_272] {strides = array<i32>} : memref<6256xi32, #tpu.memory_space<vmem>>, vector<16xi32>,
      tpu.vector_store %arg6[%swap3A_272], %broadcast_in_dim3A_1 {strides = array<i32>} : memref<6256xi32, #tpu.memory_space<vmem>>, vector<16xi32>,
      %swap3A_274 = arith.constant 6240 : index
      %swap3A_275 = tpu.vector_load %arg7[%swap3A_274] {strides = array<i32>} : memref<6256xi32, #tpu.memory_space<vmem>>, vector<16xi32>,
      tpu.vector_store %arg7[%swap3A_274], %broadcast_in_dim3A_3 {strides = array<i32>} : memref<6256xi32, #tpu.memory_space<vmem>>, vector<16xi32>,
    } else {
    }
    %broadcast_in_dim3A_10 = arith.constant 1073741824 : i32
    %broadcast_in_dim3A_11 = vector.broadcast %broadcast_in_dim3A_10 : i32 to vector<16xi32>
    %scan3A = arith.constant 0 : i32
    %scan3A_12 = arith.constant 48 : i32
    %scan3A_13 = arith.addi %scan3A, %scan3A_12 : i32
    %scan3A_14 = arith.constant 1 : i32
    %scan3A_15 = scf.for %scan3A_252 = %scan3A to %scan3A_13 step %scan3A_14 iter_args(%scan3A_253 = %broadcast_in_dim3A_11) -> (vector<16xi32>)  : i32 {
      %mul3A_254 = arith.constant 8 : i32
      %mul3A_255 = arith.muli %scan3A_252, %mul3A_254 : i32
      %add3A_256 = arith.constant 0 : i32
      %add3A_257 = arith.addi %mul3A_255, %add3A_256 : i32
      %mul3A_258 = arith.constant 16 : i32
      %mul3A_259 = arith.muli %add3A_257, %mul3A_258 : i32
      %get3A_260 = arith.index_cast %mul3A_259 : i32 to index
      %get3A_261 = tpu.vector_load %arg6[%get3A_260] {strides = array<i32>} : memref<6256xi32, #tpu.memory_space<vmem>>, vector<16xi32>,
      %min3A_262 = arith.minsi %scan3A_253, %get3A_261 : vector<16xi32>
      %mul3A_263 = arith.constant 8 : i32
      %mul3A_264 = arith.muli %scan3A_252, %mul3A_263 : i32
      %add3A_265 = arith.constant 1 : i32
      %add3A_266 = arith.addi %mul3A_264, %add3A_265 : i32
      %mul3A_267 = arith.constant 16 : i32
      %mul3A_268 = arith.muli %add3A_266, %mul3A_267 : i32
      %get3A_269 = arith.index_cast %mul3A_268 : i32 to index
      %get3A_270 = tpu.vector_load %arg6[%get3A_269] {strides = array<i32>} : memref<6256xi32, #tpu.memory_space<vmem>>, vector<16xi32>,
      %min3A_271 = arith.minsi %min3A_262, %get3A_270 : vector<16xi32>
      %mul3A_272 = arith.constant 8 : i32
      %mul3A_273 = arith.muli %scan3A_252, %mul3A_272 : i32
      %add3A_274 = arith.constant 2 : i32
      %add3A_275 = arith.addi %mul3A_273, %add3A_274 : i32
      %mul3A_276 = arith.constant 16 : i32
      %mul3A_277 = arith.muli %add3A_275, %mul3A_276 : i32
      %get3A_278 = arith.index_cast %mul3A_277 : i32 to index
      %get3A_279 = tpu.vector_load %arg6[%get3A_278] {strides = array<i32>} : memref<6256xi32, #tpu.memory_space<vmem>>, vector<16xi32>,
      %min3A_280 = arith.minsi %min3A_271, %get3A_279 : vector<16xi32>
      %mul3A_281 = arith.constant 8 : i32
      %mul3A_282 = arith.muli %scan3A_252, %mul3A_281 : i32
      %add3A_283 = arith.constant 3 : i32
      %add3A_284 = arith.addi %mul3A_282, %add3A_283 : i32
      %mul3A_285 = arith.constant 16 : i32
      %mul3A_286 = arith.muli %add3A_284, %mul3A_285 : i32
      %get3A_287 = arith.index_cast %mul3A_286 : i32 to index
      %get3A_288 = tpu.vector_load %arg6[%get3A_287] {strides = array<i32>} : memref<6256xi32, #tpu.memory_space<vmem>>, vector<16xi32>,
      %min3A_289 = arith.minsi %min3A_280, %get3A_288 : vector<16xi32>
      %mul3A_290 = arith.constant 8 : i32
      %mul3A_291 = arith.muli %scan3A_252, %mul3A_290 : i32
      %add3A_292 = arith.constant 4 : i32
      %add3A_293 = arith.addi %mul3A_291, %add3A_292 : i32
      %mul3A_294 = arith.constant 16 : i32
      %mul3A_295 = arith.muli %add3A_293, %mul3A_294 : i32
      %get3A_296 = arith.index_cast %mul3A_295 : i32 to index
      %get3A_297 = tpu.vector_load %arg6[%get3A_296] {strides = array<i32>} : memref<6256xi32, #tpu.memory_space<vmem>>, vector<16xi32>,
      %min3A_298 = arith.minsi %min3A_289, %get3A_297 : vector<16xi32>
      %mul3A_299 = arith.constant 8 : i32
      %mul3A_300 = arith.muli %scan3A_252, %mul3A_299 : i32
      %add3A_301 = arith.constant 5 : i32
      %add3A_302 = arith.addi %mul3A_300, %add3A_301 : i32
      %mul3A_303 = arith.constant 16 : i32
      %mul3A_304 = arith.muli %add3A_302, %mul3A_303 : i32
      %get3A_305 = arith.index_cast %mul3A_304 : i32 to index
      %get3A_306 = tpu.vector_load %arg6[%get3A_305] {strides = array<i32>} : memref<6256xi32, #tpu.memory_space<vmem>>, vector<16xi32>,
      %min3A_307 = arith.minsi %min3A_298, %get3A_306 : vector<16xi32>
      %mul3A_308 = arith.constant 8 : i32
      %mul3A_309 = arith.muli %scan3A_252, %mul3A_308 : i32
      %add3A_310 = arith.constant 6 : i32
      %add3A_311 = arith.addi %mul3A_309, %add3A_310 : i32
      %mul3A_312 = arith.constant 16 : i32
      %mul3A_313 = arith.muli %add3A_311, %mul3A_312 : i32
      %get3A_314 = arith.index_cast %mul3A_313 : i32 to index
      %get3A_315 = tpu.vector_load %arg6[%get3A_314] {strides = array<i32>} : memref<6256xi32, #tpu.memory_space<vmem>>, vector<16xi32>,
      %min3A_316 = arith.minsi %min3A_307, %get3A_315 : vector<16xi32>
      %mul3A_317 = arith.constant 8 : i32
      %mul3A_318 = arith.muli %scan3A_252, %mul3A_317 : i32
      %add3A_319 = arith.constant 7 : i32
      %add3A_320 = arith.addi %mul3A_318, %add3A_319 : i32
      %mul3A_321 = arith.constant 16 : i32
      %mul3A_322 = arith.muli %add3A_320, %mul3A_321 : i32
      %get3A_323 = arith.index_cast %mul3A_322 : i32 to index
      %get3A_324 = tpu.vector_load %arg6[%get3A_323] {strides = array<i32>} : memref<6256xi32, #tpu.memory_space<vmem>>, vector<16xi32>,
      %min3A_325 = arith.minsi %min3A_316, %get3A_324 : vector<16xi32>
      scf.yield %min3A_325 : vector<16xi32>
    }
    %scan3A_16 = arith.constant 48 : i32
    %get3A = arith.constant 6144 : index
    %get3A_17 = tpu.vector_load %arg6[%get3A] {strides = array<i32>} : memref<6256xi32, #tpu.memory_space<vmem>>, vector<16xi32>,
    %min3A = arith.minsi %scan3A_15, %get3A_17 : vector<16xi32>
    %get3A_18 = arith.constant 6160 : index
    %get3A_19 = tpu.vector_load %arg6[%get3A_18] {strides = array<i32>} : memref<6256xi32, #tpu.memory_space<vmem>>, vector<16xi32>,
    %min3A_20 = arith.minsi %min3A, %get3A_19 : vector<16xi32>
    %get3A_21 = arith.constant 6176 : index
    %get3A_22 = tpu.vector_load %arg6[%get3A_21] {strides = array<i32>} : memref<6256xi32, #tpu.memory_space<vmem>>, vector<16xi32>,
    %min3A_23 = arith.minsi %min3A_20, %get3A_22 : vector<16xi32>
    %get3A_24 = arith.constant 6192 : index
    %get3A_25 = tpu.vector_load %arg6[%get3A_24] {strides = array<i32>} : memref<6256xi32, #tpu.memory_space<vmem>>, vector<16xi32>,
    %min3A_26 = arith.minsi %min3A_23, %get3A_25 : vector<16xi32>
    %get3A_27 = arith.constant 6208 : index
    %get3A_28 = tpu.vector_load %arg6[%get3A_27] {strides = array<i32>} : memref<6256xi32, #tpu.memory_space<vmem>>, vector<16xi32>,
    %min3A_29 = arith.minsi %min3A_26, %get3A_28 : vector<16xi32>
    %get3A_30 = arith.constant 6224 : index
    %get3A_31 = tpu.vector_load %arg6[%get3A_30] {strides = array<i32>} : memref<6256xi32, #tpu.memory_space<vmem>>, vector<16xi32>,
    %min3A_32 = arith.minsi %min3A_29, %get3A_31 : vector<16xi32>
    %get3A_33 = arith.constant 6240 : index
    %get3A_34 = tpu.vector_load %arg6[%get3A_33] {strides = array<i32>} : memref<6256xi32, #tpu.memory_space<vmem>>, vector<16xi32>,
    %min3A_35 = arith.minsi %min3A_32, %get3A_34 : vector<16xi32>
    %swap3A = arith.constant 0 : index
    %swap3A_36 = tpu.vector_load %arg12[%swap3A] {strides = array<i32>} : memref<16xi32, #tpu.memory_space<vmem>>, vector<16xi32>,
    tpu.vector_store %arg12[%swap3A], %min3A_35 {strides = array<i32>} : memref<16xi32, #tpu.memory_space<vmem>>, vector<16xi32>,
    "tpu.region"() ({
      %run_scoped3A = tpu.sem_alloc : memref<!tpu.dma_semaphore, #tpu.memory_space<semaphore_mem>>
      %dma_start3A = arith.constant 0 : i32
      %dma_start3A_252 = tpu.memref_slice %arg16[%arg1, %dma_start3A] : memref<16x16xi32, #tpu.memory_space<vmem_shared>> -> memref<1x16xi32, #tpu.memory_space<vmem_shared>>
      %dma_start3A_253 = tpu.memref_squeeze %dma_start3A_252 : memref<1x16xi32, #tpu.memory_space<vmem_shared>> -> memref<16xi32, #tpu.memory_space<vmem_shared>>
      %dma_start3A_254 = arith.constant 0 : i32
      %dma_start3A_255 = tpu.memref_slice %arg16[%arg1, %dma_start3A_254] : memref<16x16xi32, #tpu.memory_space<vmem_shared>> -> memref<1x16xi32, #tpu.memory_space<vmem_shared>>
      %dma_start3A_256 = tpu.memref_squeeze %dma_start3A_255 : memref<1x16xi32, #tpu.memory_space<vmem_shared>> -> memref<16xi32, #tpu.memory_space<vmem_shared>>
      tpu.enqueue_dma source(%arg12 : memref<16xi32, #tpu.memory_space<vmem>>) target(%dma_start3A_256 : memref<16xi32, #tpu.memory_space<vmem_shared>>) target_semaphore(%run_scoped3A : memref<!tpu.dma_semaphore, #tpu.memory_space<semaphore_mem>>)
      %dma_wait3A = arith.constant 0 : i32
      %dma_wait3A_257 = tpu.memref_slice %arg16[%arg1, %dma_wait3A] : memref<16x16xi32, #tpu.memory_space<vmem_shared>> -> memref<1x16xi32, #tpu.memory_space<vmem_shared>>
      %dma_wait3A_258 = tpu.memref_squeeze %dma_wait3A_257 : memref<1x16xi32, #tpu.memory_space<vmem_shared>> -> memref<16xi32, #tpu.memory_space<vmem_shared>>
      %dma_wait3A_259 = arith.constant 0 : i32
      %dma_wait3A_260 = tpu.memref_slice %arg16[%arg1, %dma_wait3A_259] : memref<16x16xi32, #tpu.memory_space<vmem_shared>> -> memref<1x16xi32, #tpu.memory_space<vmem_shared>>
      %dma_wait3A_261 = tpu.memref_squeeze %dma_wait3A_260 : memref<1x16xi32, #tpu.memory_space<vmem_shared>> -> memref<16xi32, #tpu.memory_space<vmem_shared>>
      tpu.wait_dma2 semaphore(%run_scoped3A : memref<!tpu.dma_semaphore, #tpu.memory_space<semaphore_mem>>) src(%arg12 : memref<16xi32, #tpu.memory_space<vmem>>) dst(%dma_wait3A_261 : memref<16xi32, #tpu.memory_space<vmem_shared>>)
      tpu.yield
    }) : () -> ()
    %scan3A_37 = arith.constant 0 : i32
    %scan3A_38 = arith.constant 0 : i32
    %scan3A_39 = arith.constant 261 : i32
    %scan3A_40 = arith.addi %scan3A_38, %scan3A_39 : i32
    %scan3A_41 = arith.constant 1 : i32
    scf.for %scan3A_252 = %scan3A_38 to %scan3A_40 step %scan3A_41  : i32 {
      %broadcast_in_dim3A_253 = arith.constant 0.000000e+00 : f32
      %broadcast_in_dim3A_254 = vector.broadcast %broadcast_in_dim3A_253 : f32 to vector<16xf32>
      %mul3A_255 = arith.constant 16 : i32
      %mul3A_256 = arith.muli %scan3A_252, %mul3A_255 : i32
      %swap3A_257 = arith.index_cast %mul3A_256 : i32 to index
      %swap3A_258 = tpu.vector_load %arg10[%swap3A_257] {strides = array<i32>} : memref<4176xf32, #tpu.memory_space<vmem>>, vector<16xf32>,
      tpu.vector_store %arg10[%swap3A_257], %broadcast_in_dim3A_254 {strides = array<i32>} : memref<4176xf32, #tpu.memory_space<vmem>>, vector<16xf32>,
    }
    %scan3A_42 = arith.constant 261 : i32
    %barrier3A = arith.constant 0 : index
    tpu.barrier barrier_id(%barrier3A)
    "tpu.region"() ({
      %run_scoped3A = tpu.sem_alloc : memref<!tpu.dma_semaphore, #tpu.memory_space<semaphore_mem>>
      tpu.enqueue_dma source(%arg16 : memref<16x16xi32, #tpu.memory_space<vmem_shared>>) target(%arg13 : memref<16x16xi32, #tpu.memory_space<vmem>>) target_semaphore(%run_scoped3A : memref<!tpu.dma_semaphore, #tpu.memory_space<semaphore_mem>>)
      tpu.wait_dma2 semaphore(%run_scoped3A : memref<!tpu.dma_semaphore, #tpu.memory_space<semaphore_mem>>) src(%arg16 : memref<16x16xi32, #tpu.memory_space<vmem_shared>>) dst(%arg13 : memref<16x16xi32, #tpu.memory_space<vmem>>)
      tpu.yield
    }) : () -> ()
    %broadcast_in_dim3A_43 = arith.constant 1073741824 : i32
    %broadcast_in_dim3A_44 = vector.broadcast %broadcast_in_dim3A_43 : i32 to vector<16xi32>
    %scan3A_45 = arith.constant 0 : i32
    %scan3A_46 = arith.constant 16 : i32
    %scan3A_47 = arith.addi %scan3A_45, %scan3A_46 : i32
    %scan3A_48 = arith.constant 1 : i32
    %scan3A_49 = scf.for %scan3A_252 = %scan3A_45 to %scan3A_47 step %scan3A_48 iter_args(%scan3A_253 = %broadcast_in_dim3A_44) -> (vector<16xi32>)  : i32 {
      %get3A_254 = arith.index_cast %scan3A_252 : i32 to index
      %get3A_255 = arith.constant 0 : index
      %get3A_256 = tpu.vector_load %arg13[%get3A_254, %get3A_255] {strides = array<i32>} : memref<16x16xi32, #tpu.memory_space<vmem>>, vector<16xi32>,
      %min3A_257 = arith.minsi %scan3A_253, %get3A_256 : vector<16xi32>
      scf.yield %min3A_257 : vector<16xi32>
    }
    %scan3A_50 = arith.constant 16 : i32
    %slice3A = vector.extract_strided_slice %scan3A_49 {offsets = [0], sizes = [1], strides = [1]} : vector<16xi32> to vector<1xi32>
    %squeeze3A = vector.extract %slice3A[0] : i32 from vector<1xi32>
    %slice3A_51 = vector.extract_strided_slice %scan3A_49 {offsets = [1], sizes = [1], strides = [1]} : vector<16xi32> to vector<1xi32>
    %squeeze3A_52 = vector.extract %slice3A_51[0] : i32 from vector<1xi32>
    %min3A_53 = arith.minsi %squeeze3A, %squeeze3A_52 : i32
    %slice3A_54 = vector.extract_strided_slice %scan3A_49 {offsets = [2], sizes = [1], strides = [1]} : vector<16xi32> to vector<1xi32>
    %squeeze3A_55 = vector.extract %slice3A_54[0] : i32 from vector<1xi32>
    %min3A_56 = arith.minsi %min3A_53, %squeeze3A_55 : i32
    %slice3A_57 = vector.extract_strided_slice %scan3A_49 {offsets = [3], sizes = [1], strides = [1]} : vector<16xi32> to vector<1xi32>
    %squeeze3A_58 = vector.extract %slice3A_57[0] : i32 from vector<1xi32>
    %min3A_59 = arith.minsi %min3A_56, %squeeze3A_58 : i32
    %slice3A_60 = vector.extract_strided_slice %scan3A_49 {offsets = [4], sizes = [1], strides = [1]} : vector<16xi32> to vector<1xi32>
    %squeeze3A_61 = vector.extract %slice3A_60[0] : i32 from vector<1xi32>
    %min3A_62 = arith.minsi %min3A_59, %squeeze3A_61 : i32
    %slice3A_63 = vector.extract_strided_slice %scan3A_49 {offsets = [5], sizes = [1], strides = [1]} : vector<16xi32> to vector<1xi32>
    %squeeze3A_64 = vector.extract %slice3A_63[0] : i32 from vector<1xi32>
    %min3A_65 = arith.minsi %min3A_62, %squeeze3A_64 : i32
    %slice3A_66 = vector.extract_strided_slice %scan3A_49 {offsets = [6], sizes = [1], strides = [1]} : vector<16xi32> to vector<1xi32>
    %squeeze3A_67 = vector.extract %slice3A_66[0] : i32 from vector<1xi32>
    %min3A_68 = arith.minsi %min3A_65, %squeeze3A_67 : i32
    %slice3A_69 = vector.extract_strided_slice %scan3A_49 {offsets = [7], sizes = [1], strides = [1]} : vector<16xi32> to vector<1xi32>
    %squeeze3A_70 = vector.extract %slice3A_69[0] : i32 from vector<1xi32>
    %min3A_71 = arith.minsi %min3A_68, %squeeze3A_70 : i32
    %slice3A_72 = vector.extract_strided_slice %scan3A_49 {offsets = [8], sizes = [1], strides = [1]} : vector<16xi32> to vector<1xi32>
    %squeeze3A_73 = vector.extract %slice3A_72[0] : i32 from vector<1xi32>
    %min3A_74 = arith.minsi %min3A_71, %squeeze3A_73 : i32
    %slice3A_75 = vector.extract_strided_slice %scan3A_49 {offsets = [9], sizes = [1], strides = [1]} : vector<16xi32> to vector<1xi32>
    %squeeze3A_76 = vector.extract %slice3A_75[0] : i32 from vector<1xi32>
    %min3A_77 = arith.minsi %min3A_74, %squeeze3A_76 : i32
    %slice3A_78 = vector.extract_strided_slice %scan3A_49 {offsets = [10], sizes = [1], strides = [1]} : vector<16xi32> to vector<1xi32>
    %squeeze3A_79 = vector.extract %slice3A_78[0] : i32 from vector<1xi32>
    %min3A_80 = arith.minsi %min3A_77, %squeeze3A_79 : i32
    %slice3A_81 = vector.extract_strided_slice %scan3A_49 {offsets = [11], sizes = [1], strides = [1]} : vector<16xi32> to vector<1xi32>
    %squeeze3A_82 = vector.extract %slice3A_81[0] : i32 from vector<1xi32>
    %min3A_83 = arith.minsi %min3A_80, %squeeze3A_82 : i32
    %slice3A_84 = vector.extract_strided_slice %scan3A_49 {offsets = [12], sizes = [1], strides = [1]} : vector<16xi32> to vector<1xi32>
    %squeeze3A_85 = vector.extract %slice3A_84[0] : i32 from vector<1xi32>
    %min3A_86 = arith.minsi %min3A_83, %squeeze3A_85 : i32
    %slice3A_87 = vector.extract_strided_slice %scan3A_49 {offsets = [13], sizes = [1], strides = [1]} : vector<16xi32> to vector<1xi32>
    %squeeze3A_88 = vector.extract %slice3A_87[0] : i32 from vector<1xi32>
    %min3A_89 = arith.minsi %min3A_86, %squeeze3A_88 : i32
    %slice3A_90 = vector.extract_strided_slice %scan3A_49 {offsets = [14], sizes = [1], strides = [1]} : vector<16xi32> to vector<1xi32>
    %squeeze3A_91 = vector.extract %slice3A_90[0] : i32 from vector<1xi32>
    %min3A_92 = arith.minsi %min3A_89, %squeeze3A_91 : i32
    %slice3A_93 = vector.extract_strided_slice %scan3A_49 {offsets = [15], sizes = [1], strides = [1]} : vector<16xi32> to vector<1xi32>
    %squeeze3A_94 = vector.extract %slice3A_93[0] : i32 from vector<1xi32>
    %min3A_95 = arith.minsi %min3A_92, %squeeze3A_94 : i32
    %ge3A = arith.constant 1 : i32
    %ge3A_96 = arith.cmpi sge, %min3A_95, %ge3A : i32
    %jit3A = arith.constant 1 : i32
    %jit3A_97 = arith.constant 0 : i32
    %select_n3A = arith.select %ge3A_96, %jit3A, %jit3A_97 : i32
    %add3A = arith.constant 0 : i32
    %add3A_98 = vector.broadcast %add3A : i32 to vector<16xi32>
    %add3A_99 = arith.addi %iota3A, %add3A_98 : vector<16xi32>
    %sub3A = vector.broadcast %select_n3A : i32 to vector<16xi32>
    %sub3A_100 = arith.subi %add3A_99, %sub3A : vector<16xi32>
    %max3A = arith.constant 0 : i32
    %max3A_101 = vector.broadcast %max3A : i32 to vector<16xi32>
    %max3A_102 = arith.maxsi %sub3A_100, %max3A_101 : vector<16xi32>
    %gather3A = tpu.vector_load_idx %arg8[%max3A_102] : memref<96xf32, #tpu.memory_space<vmem>>[vector<16xi32>], vector<16xf32>,
    %swap3A_103 = arith.constant 0 : index
    %swap3A_104 = tpu.vector_load %arg9[%swap3A_103] {strides = array<i32>} : memref<96xf32, #tpu.memory_space<vmem>>, vector<16xf32>,
    tpu.vector_store %arg9[%swap3A_103], %gather3A {strides = array<i32>} : memref<96xf32, #tpu.memory_space<vmem>>, vector<16xf32>,
    %add3A_105 = arith.constant 16 : i32
    %add3A_106 = vector.broadcast %add3A_105 : i32 to vector<16xi32>
    %add3A_107 = arith.addi %iota3A, %add3A_106 : vector<16xi32>
    %sub3A_108 = vector.broadcast %select_n3A : i32 to vector<16xi32>
    %sub3A_109 = arith.subi %add3A_107, %sub3A_108 : vector<16xi32>
    %max3A_110 = arith.constant 0 : i32
    %max3A_111 = vector.broadcast %max3A_110 : i32 to vector<16xi32>
    %max3A_112 = arith.maxsi %sub3A_109, %max3A_111 : vector<16xi32>
    %gather3A_113 = tpu.vector_load_idx %arg8[%max3A_112] : memref<96xf32, #tpu.memory_space<vmem>>[vector<16xi32>], vector<16xf32>,
    %swap3A_114 = arith.constant 16 : index
    %swap3A_115 = tpu.vector_load %arg9[%swap3A_114] {strides = array<i32>} : memref<96xf32, #tpu.memory_space<vmem>>, vector<16xf32>,
    tpu.vector_store %arg9[%swap3A_114], %gather3A_113 {strides = array<i32>} : memref<96xf32, #tpu.memory_space<vmem>>, vector<16xf32>,
    %add3A_116 = arith.constant 32 : i32
    %add3A_117 = vector.broadcast %add3A_116 : i32 to vector<16xi32>
    %add3A_118 = arith.addi %iota3A, %add3A_117 : vector<16xi32>
    %sub3A_119 = vector.broadcast %select_n3A : i32 to vector<16xi32>
    %sub3A_120 = arith.subi %add3A_118, %sub3A_119 : vector<16xi32>
    %max3A_121 = arith.constant 0 : i32
    %max3A_122 = vector.broadcast %max3A_121 : i32 to vector<16xi32>
    %max3A_123 = arith.maxsi %sub3A_120, %max3A_122 : vector<16xi32>
    %gather3A_124 = tpu.vector_load_idx %arg8[%max3A_123] : memref<96xf32, #tpu.memory_space<vmem>>[vector<16xi32>], vector<16xf32>,
    %swap3A_125 = arith.constant 32 : index
    %swap3A_126 = tpu.vector_load %arg9[%swap3A_125] {strides = array<i32>} : memref<96xf32, #tpu.memory_space<vmem>>, vector<16xf32>,
    tpu.vector_store %arg9[%swap3A_125], %gather3A_124 {strides = array<i32>} : memref<96xf32, #tpu.memory_space<vmem>>, vector<16xf32>,
    %add3A_127 = arith.constant 48 : i32
    %add3A_128 = vector.broadcast %add3A_127 : i32 to vector<16xi32>
    %add3A_129 = arith.addi %iota3A, %add3A_128 : vector<16xi32>
    %sub3A_130 = vector.broadcast %select_n3A : i32 to vector<16xi32>
    %sub3A_131 = arith.subi %add3A_129, %sub3A_130 : vector<16xi32>
    %max3A_132 = arith.constant 0 : i32
    %max3A_133 = vector.broadcast %max3A_132 : i32 to vector<16xi32>
    %max3A_134 = arith.maxsi %sub3A_131, %max3A_133 : vector<16xi32>
    %gather3A_135 = tpu.vector_load_idx %arg8[%max3A_134] : memref<96xf32, #tpu.memory_space<vmem>>[vector<16xi32>], vector<16xf32>,
    %swap3A_136 = arith.constant 48 : index
    %swap3A_137 = tpu.vector_load %arg9[%swap3A_136] {strides = array<i32>} : memref<96xf32, #tpu.memory_space<vmem>>, vector<16xf32>,
    tpu.vector_store %arg9[%swap3A_136], %gather3A_135 {strides = array<i32>} : memref<96xf32, #tpu.memory_space<vmem>>, vector<16xf32>,
    %add3A_138 = arith.constant 64 : i32
    %add3A_139 = vector.broadcast %add3A_138 : i32 to vector<16xi32>
    %add3A_140 = arith.addi %iota3A, %add3A_139 : vector<16xi32>
    %sub3A_141 = vector.broadcast %select_n3A : i32 to vector<16xi32>
    %sub3A_142 = arith.subi %add3A_140, %sub3A_141 : vector<16xi32>
    %max3A_143 = arith.constant 0 : i32
    %max3A_144 = vector.broadcast %max3A_143 : i32 to vector<16xi32>
    %max3A_145 = arith.maxsi %sub3A_142, %max3A_144 : vector<16xi32>
    %gather3A_146 = tpu.vector_load_idx %arg8[%max3A_145] : memref<96xf32, #tpu.memory_space<vmem>>[vector<16xi32>], vector<16xf32>,
    %swap3A_147 = arith.constant 64 : index
    %swap3A_148 = tpu.vector_load %arg9[%swap3A_147] {strides = array<i32>} : memref<96xf32, #tpu.memory_space<vmem>>, vector<16xf32>,
    tpu.vector_store %arg9[%swap3A_147], %gather3A_146 {strides = array<i32>} : memref<96xf32, #tpu.memory_space<vmem>>, vector<16xf32>,
    %add3A_149 = arith.constant 80 : i32
    %add3A_150 = vector.broadcast %add3A_149 : i32 to vector<16xi32>
    %add3A_151 = arith.addi %iota3A, %add3A_150 : vector<16xi32>
    %sub3A_152 = vector.broadcast %select_n3A : i32 to vector<16xi32>
    %sub3A_153 = arith.subi %add3A_151, %sub3A_152 : vector<16xi32>
    %max3A_154 = arith.constant 0 : i32
    %max3A_155 = vector.broadcast %max3A_154 : i32 to vector<16xi32>
    %max3A_156 = arith.maxsi %sub3A_153, %max3A_155 : vector<16xi32>
    %gather3A_157 = tpu.vector_load_idx %arg8[%max3A_156] : memref<96xf32, #tpu.memory_space<vmem>>[vector<16xi32>], vector<16xf32>,
    %swap3A_158 = arith.constant 80 : index
    %swap3A_159 = tpu.vector_load %arg9[%swap3A_158] {strides = array<i32>} : memref<96xf32, #tpu.memory_space<vmem>>, vector<16xf32>,
    tpu.vector_store %arg9[%swap3A_158], %gather3A_157 {strides = array<i32>} : memref<96xf32, #tpu.memory_space<vmem>>, vector<16xf32>,
    %jit3A_160 = arith.constant 4 : i32
    %eq3A_161 = arith.constant 0 : i32
    %eq3A_162 = arith.cmpi eq, %jit3A_160, %eq3A_161 : i32
    %jit3A_163 = arith.constant 1 : i32
    %select_n3A_164 = arith.select %eq3A_162, %jit3A_163, %jit3A_160 : i32
    %rem3A = vector.broadcast %select_n3A_164 : i32 to vector<16xi32>
    %rem3A_165 = arith.remsi %iota3A, %rem3A : vector<16xi32>
    %ne3A = arith.constant 0 : i32
    %ne3A_166 = vector.broadcast %ne3A : i32 to vector<16xi32>
    %ne3A_167 = arith.cmpi ne, %rem3A_165, %ne3A_166 : vector<16xi32>
    %lt3A_168 = arith.constant 0 : i32
    %lt3A_169 = vector.broadcast %lt3A_168 : i32 to vector<16xi32>
    %lt3A_170 = arith.cmpi slt, %rem3A_165, %lt3A_169 : vector<16xi32>
    %lt3A_171 = arith.constant 0 : i32
    %lt3A_172 = arith.cmpi slt, %select_n3A_164, %lt3A_171 : i32
    %ne3A_173 = vector.broadcast %lt3A_172 : i1 to vector<16xi1>
    %ne3A_174 = vector.broadcast %ne3A_173 : vector<16xi1> to vector<16xi1>
    %ne3A_175 = arith.xori %lt3A_170, %ne3A_174 : vector<16xi1>
    %and3A = arith.andi %ne3A_175, %ne3A_167 : vector<16xi1>
    %add3A_176 = vector.broadcast %select_n3A_164 : i32 to vector<16xi32>
    %add3A_177 = arith.addi %rem3A_165, %add3A_176 : vector<16xi32>
    %select_n3A_178 = arith.select %and3A, %add3A_177, %rem3A_165 : vector<16xi1>, vector<16xi32>
    %mul3A_179 = arith.constant 1041 : i32
    %mul3A_180 = vector.broadcast %mul3A_179 : i32 to vector<16xi32>
    %mul3A_181 = arith.muli %select_n3A_178, %mul3A_180 : vector<16xi32>
    %mul3A_182 = arith.constant 391 : i32
    %mul3A_183 = vector.broadcast %mul3A_182 : i32 to vector<16xi32>
    %mul3A_184 = arith.muli %iota3A, %mul3A_183 : vector<16xi32>
    %scan3A_185 = arith.constant 0 : i32
    %scan3A_186 = arith.constant 48 : i32
    %scan3A_187 = arith.addi %scan3A_185, %scan3A_186 : i32
    %scan3A_188 = arith.constant 1 : i32
    %scan3A_189 = scf.for %scan3A_252 = %scan3A_185 to %scan3A_187 step %scan3A_188 iter_args(%scan3A_253 = %mul3A_184) -> (vector<16xi32>)  : i32 {
      %gather3A_254 = tpu.vector_load_idx %arg6[%scan3A_253] : memref<6256xi32, #tpu.memory_space<vmem>>[vector<16xi32>], vector<16xi32>,
      %gather3A_255 = tpu.vector_load_idx %arg7[%scan3A_253] : memref<6256xi32, #tpu.memory_space<vmem>>[vector<16xi32>], vector<16xi32>,
      %gather3A_256 = tpu.vector_load_idx %arg9[%gather3A_254] : memref<96xf32, #tpu.memory_space<vmem>>[vector<16xi32>], vector<16xf32>,
      %add3A_257 = arith.addi %gather3A_255, %mul3A_181 : vector<16xi32>
      tpu.vector_store_idx %arg10[%add3A_257], %gather3A_256 {add = true} : memref<4176xf32, #tpu.memory_space<vmem>>[vector<16xi32>], vector<16xf32>,
      %add3A_258 = arith.constant 1 : i32
      %add3A_259 = vector.broadcast %add3A_258 : i32 to vector<16xi32>
      %add3A_260 = arith.addi %scan3A_253, %add3A_259 : vector<16xi32>
      %gather3A_261 = tpu.vector_load_idx %arg6[%add3A_260] : memref<6256xi32, #tpu.memory_space<vmem>>[vector<16xi32>], vector<16xi32>,
      %gather3A_262 = tpu.vector_load_idx %arg7[%add3A_260] : memref<6256xi32, #tpu.memory_space<vmem>>[vector<16xi32>], vector<16xi32>,
      %gather3A_263 = tpu.vector_load_idx %arg9[%gather3A_261] : memref<96xf32, #tpu.memory_space<vmem>>[vector<16xi32>], vector<16xf32>,
      %add3A_264 = arith.addi %gather3A_262, %mul3A_181 : vector<16xi32>
      tpu.vector_store_idx %arg10[%add3A_264], %gather3A_263 {add = true} : memref<4176xf32, #tpu.memory_space<vmem>>[vector<16xi32>], vector<16xf32>,
      %add3A_265 = arith.constant 1 : i32
      %add3A_266 = vector.broadcast %add3A_265 : i32 to vector<16xi32>
      %add3A_267 = arith.addi %add3A_260, %add3A_266 : vector<16xi32>
      %gather3A_268 = tpu.vector_load_idx %arg6[%add3A_267] : memref<6256xi32, #tpu.memory_space<vmem>>[vector<16xi32>], vector<16xi32>,
      %gather3A_269 = tpu.vector_load_idx %arg7[%add3A_267] : memref<6256xi32, #tpu.memory_space<vmem>>[vector<16xi32>], vector<16xi32>,
      %gather3A_270 = tpu.vector_load_idx %arg9[%gather3A_268] : memref<96xf32, #tpu.memory_space<vmem>>[vector<16xi32>], vector<16xf32>,
      %add3A_271 = arith.addi %gather3A_269, %mul3A_181 : vector<16xi32>
      tpu.vector_store_idx %arg10[%add3A_271], %gather3A_270 {add = true} : memref<4176xf32, #tpu.memory_space<vmem>>[vector<16xi32>], vector<16xf32>,
      %add3A_272 = arith.constant 1 : i32
      %add3A_273 = vector.broadcast %add3A_272 : i32 to vector<16xi32>
      %add3A_274 = arith.addi %add3A_267, %add3A_273 : vector<16xi32>
      %gather3A_275 = tpu.vector_load_idx %arg6[%add3A_274] : memref<6256xi32, #tpu.memory_space<vmem>>[vector<16xi32>], vector<16xi32>,
      %gather3A_276 = tpu.vector_load_idx %arg7[%add3A_274] : memref<6256xi32, #tpu.memory_space<vmem>>[vector<16xi32>], vector<16xi32>,
      %gather3A_277 = tpu.vector_load_idx %arg9[%gather3A_275] : memref<96xf32, #tpu.memory_space<vmem>>[vector<16xi32>], vector<16xf32>,
      %add3A_278 = arith.addi %gather3A_276, %mul3A_181 : vector<16xi32>
      tpu.vector_store_idx %arg10[%add3A_278], %gather3A_277 {add = true} : memref<4176xf32, #tpu.memory_space<vmem>>[vector<16xi32>], vector<16xf32>,
      %add3A_279 = arith.constant 1 : i32
      %add3A_280 = vector.broadcast %add3A_279 : i32 to vector<16xi32>
      %add3A_281 = arith.addi %add3A_274, %add3A_280 : vector<16xi32>
      %gather3A_282 = tpu.vector_load_idx %arg6[%add3A_281] : memref<6256xi32, #tpu.memory_space<vmem>>[vector<16xi32>], vector<16xi32>,
      %gather3A_283 = tpu.vector_load_idx %arg7[%add3A_281] : memref<6256xi32, #tpu.memory_space<vmem>>[vector<16xi32>], vector<16xi32>,
      %gather3A_284 = tpu.vector_load_idx %arg9[%gather3A_282] : memref<96xf32, #tpu.memory_space<vmem>>[vector<16xi32>], vector<16xf32>,
      %add3A_285 = arith.addi %gather3A_283, %mul3A_181 : vector<16xi32>
      tpu.vector_store_idx %arg10[%add3A_285], %gather3A_284 {add = true} : memref<4176xf32, #tpu.memory_space<vmem>>[vector<16xi32>], vector<16xf32>,
      %add3A_286 = arith.constant 1 : i32
      %add3A_287 = vector.broadcast %add3A_286 : i32 to vector<16xi32>
      %add3A_288 = arith.addi %add3A_281, %add3A_287 : vector<16xi32>
      %gather3A_289 = tpu.vector_load_idx %arg6[%add3A_288] : memref<6256xi32, #tpu.memory_space<vmem>>[vector<16xi32>], vector<16xi32>,
      %gather3A_290 = tpu.vector_load_idx %arg7[%add3A_288] : memref<6256xi32, #tpu.memory_space<vmem>>[vector<16xi32>], vector<16xi32>,
      %gather3A_291 = tpu.vector_load_idx %arg9[%gather3A_289] : memref<96xf32, #tpu.memory_space<vmem>>[vector<16xi32>], vector<16xf32>,
      %add3A_292 = arith.addi %gather3A_290, %mul3A_181 : vector<16xi32>
      tpu.vector_store_idx %arg10[%add3A_292], %gather3A_291 {add = true} : memref<4176xf32, #tpu.memory_space<vmem>>[vector<16xi32>], vector<16xf32>,
      %add3A_293 = arith.constant 1 : i32
      %add3A_294 = vector.broadcast %add3A_293 : i32 to vector<16xi32>
      %add3A_295 = arith.addi %add3A_288, %add3A_294 : vector<16xi32>
      %gather3A_296 = tpu.vector_load_idx %arg6[%add3A_295] : memref<6256xi32, #tpu.memory_space<vmem>>[vector<16xi32>], vector<16xi32>,
      %gather3A_297 = tpu.vector_load_idx %arg7[%add3A_295] : memref<6256xi32, #tpu.memory_space<vmem>>[vector<16xi32>], vector<16xi32>,
      %gather3A_298 = tpu.vector_load_idx %arg9[%gather3A_296] : memref<96xf32, #tpu.memory_space<vmem>>[vector<16xi32>], vector<16xf32>,
      %add3A_299 = arith.addi %gather3A_297, %mul3A_181 : vector<16xi32>
      tpu.vector_store_idx %arg10[%add3A_299], %gather3A_298 {add = true} : memref<4176xf32, #tpu.memory_space<vmem>>[vector<16xi32>], vector<16xf32>,
      %add3A_300 = arith.constant 1 : i32
      %add3A_301 = vector.broadcast %add3A_300 : i32 to vector<16xi32>
      %add3A_302 = arith.addi %add3A_295, %add3A_301 : vector<16xi32>
      %gather3A_303 = tpu.vector_load_idx %arg6[%add3A_302] : memref<6256xi32, #tpu.memory_space<vmem>>[vector<16xi32>], vector<16xi32>,
      %gather3A_304 = tpu.vector_load_idx %arg7[%add3A_302] : memref<6256xi32, #tpu.memory_space<vmem>>[vector<16xi32>], vector<16xi32>,
      %gather3A_305 = tpu.vector_load_idx %arg9[%gather3A_303] : memref<96xf32, #tpu.memory_space<vmem>>[vector<16xi32>], vector<16xf32>,
      %add3A_306 = arith.addi %gather3A_304, %mul3A_181 : vector<16xi32>
      tpu.vector_store_idx %arg10[%add3A_306], %gather3A_305 {add = true} : memref<4176xf32, #tpu.memory_space<vmem>>[vector<16xi32>], vector<16xf32>,
      %add3A_307 = arith.constant 1 : i32
      %add3A_308 = vector.broadcast %add3A_307 : i32 to vector<16xi32>
      %add3A_309 = arith.addi %add3A_302, %add3A_308 : vector<16xi32>
      scf.yield %add3A_309 : vector<16xi32>
    }
    %scan3A_190 = arith.constant 48 : i32
    %gather3A_191 = tpu.vector_load_idx %arg6[%scan3A_189] : memref<6256xi32, #tpu.memory_space<vmem>>[vector<16xi32>], vector<16xi32>,
    %gather3A_192 = tpu.vector_load_idx %arg7[%scan3A_189] : memref<6256xi32, #tpu.memory_space<vmem>>[vector<16xi32>], vector<16xi32>,
    %gather3A_193 = tpu.vector_load_idx %arg9[%gather3A_191] : memref<96xf32, #tpu.memory_space<vmem>>[vector<16xi32>], vector<16xf32>,
    %add3A_194 = arith.addi %gather3A_192, %mul3A_181 : vector<16xi32>
    tpu.vector_store_idx %arg10[%add3A_194], %gather3A_193 {add = true} : memref<4176xf32, #tpu.memory_space<vmem>>[vector<16xi32>], vector<16xf32>,
    %add3A_195 = arith.constant 1 : i32
    %add3A_196 = vector.broadcast %add3A_195 : i32 to vector<16xi32>
    %add3A_197 = arith.addi %scan3A_189, %add3A_196 : vector<16xi32>
    %gather3A_198 = tpu.vector_load_idx %arg6[%add3A_197] : memref<6256xi32, #tpu.memory_space<vmem>>[vector<16xi32>], vector<16xi32>,
    %gather3A_199 = tpu.vector_load_idx %arg7[%add3A_197] : memref<6256xi32, #tpu.memory_space<vmem>>[vector<16xi32>], vector<16xi32>,
    %gather3A_200 = tpu.vector_load_idx %arg9[%gather3A_198] : memref<96xf32, #tpu.memory_space<vmem>>[vector<16xi32>], vector<16xf32>,
    %add3A_201 = arith.addi %gather3A_199, %mul3A_181 : vector<16xi32>
    tpu.vector_store_idx %arg10[%add3A_201], %gather3A_200 {add = true} : memref<4176xf32, #tpu.memory_space<vmem>>[vector<16xi32>], vector<16xf32>,
    %add3A_202 = arith.constant 1 : i32
    %add3A_203 = vector.broadcast %add3A_202 : i32 to vector<16xi32>
    %add3A_204 = arith.addi %add3A_197, %add3A_203 : vector<16xi32>
    %gather3A_205 = tpu.vector_load_idx %arg6[%add3A_204] : memref<6256xi32, #tpu.memory_space<vmem>>[vector<16xi32>], vector<16xi32>,
    %gather3A_206 = tpu.vector_load_idx %arg7[%add3A_204] : memref<6256xi32, #tpu.memory_space<vmem>>[vector<16xi32>], vector<16xi32>,
    %gather3A_207 = tpu.vector_load_idx %arg9[%gather3A_205] : memref<96xf32, #tpu.memory_space<vmem>>[vector<16xi32>], vector<16xf32>,
    %add3A_208 = arith.addi %gather3A_206, %mul3A_181 : vector<16xi32>
    tpu.vector_store_idx %arg10[%add3A_208], %gather3A_207 {add = true} : memref<4176xf32, #tpu.memory_space<vmem>>[vector<16xi32>], vector<16xf32>,
    %add3A_209 = arith.constant 1 : i32
    %add3A_210 = vector.broadcast %add3A_209 : i32 to vector<16xi32>
    %add3A_211 = arith.addi %add3A_204, %add3A_210 : vector<16xi32>
    %gather3A_212 = tpu.vector_load_idx %arg6[%add3A_211] : memref<6256xi32, #tpu.memory_space<vmem>>[vector<16xi32>], vector<16xi32>,
    %gather3A_213 = tpu.vector_load_idx %arg7[%add3A_211] : memref<6256xi32, #tpu.memory_space<vmem>>[vector<16xi32>], vector<16xi32>,
    %gather3A_214 = tpu.vector_load_idx %arg9[%gather3A_212] : memref<96xf32, #tpu.memory_space<vmem>>[vector<16xi32>], vector<16xf32>,
    %add3A_215 = arith.addi %gather3A_213, %mul3A_181 : vector<16xi32>
    tpu.vector_store_idx %arg10[%add3A_215], %gather3A_214 {add = true} : memref<4176xf32, #tpu.memory_space<vmem>>[vector<16xi32>], vector<16xf32>,
    %add3A_216 = arith.constant 1 : i32
    %add3A_217 = vector.broadcast %add3A_216 : i32 to vector<16xi32>
    %add3A_218 = arith.addi %add3A_211, %add3A_217 : vector<16xi32>
    %gather3A_219 = tpu.vector_load_idx %arg6[%add3A_218] : memref<6256xi32, #tpu.memory_space<vmem>>[vector<16xi32>], vector<16xi32>,
    %gather3A_220 = tpu.vector_load_idx %arg7[%add3A_218] : memref<6256xi32, #tpu.memory_space<vmem>>[vector<16xi32>], vector<16xi32>,
    %gather3A_221 = tpu.vector_load_idx %arg9[%gather3A_219] : memref<96xf32, #tpu.memory_space<vmem>>[vector<16xi32>], vector<16xf32>,
    %add3A_222 = arith.addi %gather3A_220, %mul3A_181 : vector<16xi32>
    tpu.vector_store_idx %arg10[%add3A_222], %gather3A_221 {add = true} : memref<4176xf32, #tpu.memory_space<vmem>>[vector<16xi32>], vector<16xf32>,
    %add3A_223 = arith.constant 1 : i32
    %add3A_224 = vector.broadcast %add3A_223 : i32 to vector<16xi32>
    %add3A_225 = arith.addi %add3A_218, %add3A_224 : vector<16xi32>
    %gather3A_226 = tpu.vector_load_idx %arg6[%add3A_225] : memref<6256xi32, #tpu.memory_space<vmem>>[vector<16xi32>], vector<16xi32>,
    %gather3A_227 = tpu.vector_load_idx %arg7[%add3A_225] : memref<6256xi32, #tpu.memory_space<vmem>>[vector<16xi32>], vector<16xi32>,
    %gather3A_228 = tpu.vector_load_idx %arg9[%gather3A_226] : memref<96xf32, #tpu.memory_space<vmem>>[vector<16xi32>], vector<16xf32>,
    %add3A_229 = arith.addi %gather3A_227, %mul3A_181 : vector<16xi32>
    tpu.vector_store_idx %arg10[%add3A_229], %gather3A_228 {add = true} : memref<4176xf32, #tpu.memory_space<vmem>>[vector<16xi32>], vector<16xf32>,
    %add3A_230 = arith.constant 1 : i32
    %add3A_231 = vector.broadcast %add3A_230 : i32 to vector<16xi32>
    %add3A_232 = arith.addi %add3A_225, %add3A_231 : vector<16xi32>
    %gather3A_233 = tpu.vector_load_idx %arg6[%add3A_232] : memref<6256xi32, #tpu.memory_space<vmem>>[vector<16xi32>], vector<16xi32>,
    %gather3A_234 = tpu.vector_load_idx %arg7[%add3A_232] : memref<6256xi32, #tpu.memory_space<vmem>>[vector<16xi32>], vector<16xi32>,
    %gather3A_235 = tpu.vector_load_idx %arg9[%gather3A_233] : memref<96xf32, #tpu.memory_space<vmem>>[vector<16xi32>], vector<16xf32>,
    %add3A_236 = arith.addi %gather3A_234, %mul3A_181 : vector<16xi32>
    tpu.vector_store_idx %arg10[%add3A_236], %gather3A_235 {add = true} : memref<4176xf32, #tpu.memory_space<vmem>>[vector<16xi32>], vector<16xf32>,
    %add3A_237 = arith.constant 1 : i32
    %add3A_238 = vector.broadcast %add3A_237 : i32 to vector<16xi32>
    %add3A_239 = arith.addi %add3A_232, %add3A_238 : vector<16xi32>
    %scan3A_240 = arith.constant 0 : i32
    %scan3A_241 = arith.constant 0 : i32
    %scan3A_242 = arith.constant 64 : i32
    %scan3A_243 = arith.addi %scan3A_241, %scan3A_242 : i32
    %scan3A_244 = arith.constant 1 : i32
    scf.for %scan3A_252 = %scan3A_241 to %scan3A_243 step %scan3A_244  : i32 {
      %mul3A_253 = arith.constant 16 : i32
      %mul3A_254 = arith.muli %scan3A_252, %mul3A_253 : i32
      %get3A_255 = arith.index_cast %mul3A_254 : i32 to index
      %get3A_256 = tpu.vector_load %arg10[%get3A_255] {strides = array<i32>} : memref<4176xf32, #tpu.memory_space<vmem>>, vector<16xf32>,
      %mul3A_257 = arith.constant 16 : i32
      %mul3A_258 = arith.muli %scan3A_252, %mul3A_257 : i32
      %add3A_259 = arith.constant 1041 : i32
      %add3A_260 = arith.addi %add3A_259, %mul3A_258 : i32
      %get3A_261 = arith.index_cast %add3A_260 : i32 to index
      %get3A_262 = tpu.vector_load %arg10[%get3A_261] {strides = array<i32>} : memref<4176xf32, #tpu.memory_space<vmem>>, vector<16xf32>,
      %add3A_263 = arith.addf %get3A_256, %get3A_262 : vector<16xf32>
      %mul3A_264 = arith.constant 16 : i32
      %mul3A_265 = arith.muli %scan3A_252, %mul3A_264 : i32
      %add3A_266 = arith.constant 2082 : i32
      %add3A_267 = arith.addi %add3A_266, %mul3A_265 : i32
      %get3A_268 = arith.index_cast %add3A_267 : i32 to index
      %get3A_269 = tpu.vector_load %arg10[%get3A_268] {strides = array<i32>} : memref<4176xf32, #tpu.memory_space<vmem>>, vector<16xf32>,
      %add3A_270 = arith.addf %add3A_263, %get3A_269 : vector<16xf32>
      %mul3A_271 = arith.constant 16 : i32
      %mul3A_272 = arith.muli %scan3A_252, %mul3A_271 : i32
      %add3A_273 = arith.constant 3123 : i32
      %add3A_274 = arith.addi %add3A_273, %mul3A_272 : i32
      %get3A_275 = arith.index_cast %add3A_274 : i32 to index
      %get3A_276 = tpu.vector_load %arg10[%get3A_275] {strides = array<i32>} : memref<4176xf32, #tpu.memory_space<vmem>>, vector<16xf32>,
      %add3A_277 = arith.addf %add3A_270, %get3A_276 : vector<16xf32>
      %mul3A_278 = arith.constant 16 : i32
      %mul3A_279 = arith.muli %scan3A_252, %mul3A_278 : i32
      %swap3A_280 = arith.index_cast %mul3A_279 : i32 to index
      %swap3A_281 = tpu.vector_load %arg11[%swap3A_280] {strides = array<i32>} : memref<1024xf32, #tpu.memory_space<vmem>>, vector<16xf32>,
      tpu.vector_store %arg11[%swap3A_280], %add3A_277 {strides = array<i32>} : memref<1024xf32, #tpu.memory_space<vmem>>, vector<16xf32>,
    }
    %scan3A_245 = arith.constant 64 : i32
    "tpu.region"() ({
      %run_scoped3A = tpu.sem_alloc : memref<!tpu.dma_semaphore, #tpu.memory_space<semaphore_mem>>
      %dma_start3A = arith.constant 0 : i32
      %dma_start3A_252 = tpu.memref_slice %arg17[%arg1, %dma_start3A] : memref<16x1024xf32, #tpu.memory_space<vmem_shared>> -> memref<1x1024xf32, #tpu.memory_space<vmem_shared>>
      %dma_start3A_253 = tpu.memref_squeeze %dma_start3A_252 : memref<1x1024xf32, #tpu.memory_space<vmem_shared>> -> memref<1024xf32, #tpu.memory_space<vmem_shared>>
      %dma_start3A_254 = arith.constant 0 : i32
      %dma_start3A_255 = tpu.memref_slice %arg17[%arg1, %dma_start3A_254] : memref<16x1024xf32, #tpu.memory_space<vmem_shared>> -> memref<1x1024xf32, #tpu.memory_space<vmem_shared>>
      %dma_start3A_256 = tpu.memref_squeeze %dma_start3A_255 : memref<1x1024xf32, #tpu.memory_space<vmem_shared>> -> memref<1024xf32, #tpu.memory_space<vmem_shared>>
      tpu.enqueue_dma source(%arg11 : memref<1024xf32, #tpu.memory_space<vmem>>) target(%dma_start3A_256 : memref<1024xf32, #tpu.memory_space<vmem_shared>>) target_semaphore(%run_scoped3A : memref<!tpu.dma_semaphore, #tpu.memory_space<semaphore_mem>>)
      %dma_wait3A = arith.constant 0 : i32
      %dma_wait3A_257 = tpu.memref_slice %arg17[%arg1, %dma_wait3A] : memref<16x1024xf32, #tpu.memory_space<vmem_shared>> -> memref<1x1024xf32, #tpu.memory_space<vmem_shared>>
      %dma_wait3A_258 = tpu.memref_squeeze %dma_wait3A_257 : memref<1x1024xf32, #tpu.memory_space<vmem_shared>> -> memref<1024xf32, #tpu.memory_space<vmem_shared>>
      %dma_wait3A_259 = arith.constant 0 : i32
      %dma_wait3A_260 = tpu.memref_slice %arg17[%arg1, %dma_wait3A_259] : memref<16x1024xf32, #tpu.memory_space<vmem_shared>> -> memref<1x1024xf32, #tpu.memory_space<vmem_shared>>
      %dma_wait3A_261 = tpu.memref_squeeze %dma_wait3A_260 : memref<1x1024xf32, #tpu.memory_space<vmem_shared>> -> memref<1024xf32, #tpu.memory_space<vmem_shared>>
      tpu.wait_dma2 semaphore(%run_scoped3A : memref<!tpu.dma_semaphore, #tpu.memory_space<semaphore_mem>>) src(%arg11 : memref<1024xf32, #tpu.memory_space<vmem>>) dst(%dma_wait3A_261 : memref<1024xf32, #tpu.memory_space<vmem_shared>>)
      tpu.yield
    }) : () -> ()
    %barrier3A_246 = arith.constant 0 : index
    tpu.barrier barrier_id(%barrier3A_246)
    %lt3A_247 = arith.constant 8 : i32
    %lt3A_248 = arith.cmpi slt, %arg1, %lt3A_247 : i32
    %convert_element_type3A_249 = arith.extui %lt3A_248 : i1 to i32
    %cond3A_250 = arith.constant 0 : i32
    %cond3A_251 = arith.cmpi ne, %convert_element_type3A_249, %cond3A_250 : i32
    scf.if %cond3A_251 {
      %mul3A_252 = arith.constant 128 : i32
      %mul3A_253 = arith.muli %arg1, %mul3A_252 : i32
      "tpu.region"() ({
        %run_scoped3A = tpu.sem_alloc : memref<!tpu.dma_semaphore, #tpu.memory_space<semaphore_mem>>
        %dma_start3A = arith.constant 0 : i32
        %dma_start3A_294 = tpu.memref_slice %arg17[%dma_start3A, %mul3A_253] : memref<16x1024xf32, #tpu.memory_space<vmem_shared>> -> memref<16x128xf32, #tpu.memory_space<vmem_shared>>
        %dma_start3A_295 = arith.constant 0 : i32
        %dma_start3A_296 = tpu.memref_slice %arg17[%dma_start3A_295, %mul3A_253] : memref<16x1024xf32, #tpu.memory_space<vmem_shared>> -> memref<16x128xf32, #tpu.memory_space<vmem_shared>>
        tpu.enqueue_dma source(%dma_start3A_296 : memref<16x128xf32, #tpu.memory_space<vmem_shared>>) target(%arg14 : memref<16x128xf32, #tpu.memory_space<vmem>>) target_semaphore(%run_scoped3A : memref<!tpu.dma_semaphore, #tpu.memory_space<semaphore_mem>>)
        %dma_wait3A = arith.constant 0 : i32
        %dma_wait3A_297 = tpu.memref_slice %arg17[%dma_wait3A, %mul3A_253] : memref<16x1024xf32, #tpu.memory_space<vmem_shared>> -> memref<16x128xf32, #tpu.memory_space<vmem_shared>>
        %dma_wait3A_298 = arith.constant 0 : i32
        %dma_wait3A_299 = tpu.memref_slice %arg17[%dma_wait3A_298, %mul3A_253] : memref<16x1024xf32, #tpu.memory_space<vmem_shared>> -> memref<16x128xf32, #tpu.memory_space<vmem_shared>>
        tpu.wait_dma2 semaphore(%run_scoped3A : memref<!tpu.dma_semaphore, #tpu.memory_space<semaphore_mem>>) src(%dma_wait3A_299 : memref<16x128xf32, #tpu.memory_space<vmem_shared>>) dst(%arg14 : memref<16x128xf32, #tpu.memory_space<vmem>>)
        tpu.yield
      }) : () -> ()
      %broadcast_in_dim3A_254 = arith.constant 0.000000e+00 : f32
      %broadcast_in_dim3A_255 = vector.broadcast %broadcast_in_dim3A_254 : f32 to vector<16xf32>
      %broadcast_in_dim3A_256 = arith.constant 0.000000e+00 : f32
      %broadcast_in_dim3A_257 = vector.broadcast %broadcast_in_dim3A_256 : f32 to vector<16xf32>
      %broadcast_in_dim3A_258 = arith.constant 0.000000e+00 : f32
      %broadcast_in_dim3A_259 = vector.broadcast %broadcast_in_dim3A_258 : f32 to vector<16xf32>
      %broadcast_in_dim3A_260 = arith.constant 0.000000e+00 : f32
      %broadcast_in_dim3A_261 = vector.broadcast %broadcast_in_dim3A_260 : f32 to vector<16xf32>
      %broadcast_in_dim3A_262 = arith.constant 0.000000e+00 : f32
      %broadcast_in_dim3A_263 = vector.broadcast %broadcast_in_dim3A_262 : f32 to vector<16xf32>
      %broadcast_in_dim3A_264 = arith.constant 0.000000e+00 : f32
      %broadcast_in_dim3A_265 = vector.broadcast %broadcast_in_dim3A_264 : f32 to vector<16xf32>
      %broadcast_in_dim3A_266 = arith.constant 0.000000e+00 : f32
      %broadcast_in_dim3A_267 = vector.broadcast %broadcast_in_dim3A_266 : f32 to vector<16xf32>
      %broadcast_in_dim3A_268 = arith.constant 0.000000e+00 : f32
      %broadcast_in_dim3A_269 = vector.broadcast %broadcast_in_dim3A_268 : f32 to vector<16xf32>
      %scan3A_270 = arith.constant 0 : i32
      %scan3A_271 = arith.constant 16 : i32
      %scan3A_272 = arith.addi %scan3A_270, %scan3A_271 : i32
      %scan3A_273 = arith.constant 1 : i32
      %scan3A_274:8 = scf.for %scan3A_294 = %scan3A_270 to %scan3A_272 step %scan3A_273 iter_args(%scan3A_295 = %broadcast_in_dim3A_255, %scan3A_296 = %broadcast_in_dim3A_257, %scan3A_297 = %broadcast_in_dim3A_259, %scan3A_298 = %broadcast_in_dim3A_261, %scan3A_299 = %broadcast_in_dim3A_263, %scan3A_300 = %broadcast_in_dim3A_265, %scan3A_301 = %broadcast_in_dim3A_267, %scan3A_302 = %broadcast_in_dim3A_269) -> (vector<16xf32>, vector<16xf32>, vector<16xf32>, vector<16xf32>, vector<16xf32>, vector<16xf32>, vector<16xf32>, vector<16xf32>)  : i32 {
        %get3A_303 = arith.index_cast %scan3A_294 : i32 to index
        %get3A_304 = arith.constant 0 : index
        %get3A_305 = tpu.vector_load %arg14[%get3A_303, %get3A_304] {strides = array<i32>} : memref<16x128xf32, #tpu.memory_space<vmem>>, vector<16xf32>,
        %add3A_306 = arith.addf %scan3A_295, %get3A_305 : vector<16xf32>
        %get3A_307 = arith.index_cast %scan3A_294 : i32 to index
        %get3A_308 = arith.constant 16 : index
        %get3A_309 = tpu.vector_load %arg14[%get3A_307, %get3A_308] {strides = array<i32>} : memref<16x128xf32, #tpu.memory_space<vmem>>, vector<16xf32>,
        %add3A_310 = arith.addf %scan3A_296, %get3A_309 : vector<16xf32>
        %get3A_311 = arith.index_cast %scan3A_294 : i32 to index
        %get3A_312 = arith.constant 32 : index
        %get3A_313 = tpu.vector_load %arg14[%get3A_311, %get3A_312] {strides = array<i32>} : memref<16x128xf32, #tpu.memory_space<vmem>>, vector<16xf32>,
        %add3A_314 = arith.addf %scan3A_297, %get3A_313 : vector<16xf32>
        %get3A_315 = arith.index_cast %scan3A_294 : i32 to index
        %get3A_316 = arith.constant 48 : index
        %get3A_317 = tpu.vector_load %arg14[%get3A_315, %get3A_316] {strides = array<i32>} : memref<16x128xf32, #tpu.memory_space<vmem>>, vector<16xf32>,
        %add3A_318 = arith.addf %scan3A_298, %get3A_317 : vector<16xf32>
        %get3A_319 = arith.index_cast %scan3A_294 : i32 to index
        %get3A_320 = arith.constant 64 : index
        %get3A_321 = tpu.vector_load %arg14[%get3A_319, %get3A_320] {strides = array<i32>} : memref<16x128xf32, #tpu.memory_space<vmem>>, vector<16xf32>,
        %add3A_322 = arith.addf %scan3A_299, %get3A_321 : vector<16xf32>
        %get3A_323 = arith.index_cast %scan3A_294 : i32 to index
        %get3A_324 = arith.constant 80 : index
        %get3A_325 = tpu.vector_load %arg14[%get3A_323, %get3A_324] {strides = array<i32>} : memref<16x128xf32, #tpu.memory_space<vmem>>, vector<16xf32>,
        %add3A_326 = arith.addf %scan3A_300, %get3A_325 : vector<16xf32>
        %get3A_327 = arith.index_cast %scan3A_294 : i32 to index
        %get3A_328 = arith.constant 96 : index
        %get3A_329 = tpu.vector_load %arg14[%get3A_327, %get3A_328] {strides = array<i32>} : memref<16x128xf32, #tpu.memory_space<vmem>>, vector<16xf32>,
        %add3A_330 = arith.addf %scan3A_301, %get3A_329 : vector<16xf32>
        %get3A_331 = arith.index_cast %scan3A_294 : i32 to index
        %get3A_332 = arith.constant 112 : index
        %get3A_333 = tpu.vector_load %arg14[%get3A_331, %get3A_332] {strides = array<i32>} : memref<16x128xf32, #tpu.memory_space<vmem>>, vector<16xf32>,
        %add3A_334 = arith.addf %scan3A_302, %get3A_333 : vector<16xf32>
        scf.yield %add3A_306, %add3A_310, %add3A_314, %add3A_318, %add3A_322, %add3A_326, %add3A_330, %add3A_334 : vector<16xf32>, vector<16xf32>, vector<16xf32>, vector<16xf32>, vector<16xf32>, vector<16xf32>, vector<16xf32>, vector<16xf32>
      }
      %scan3A_275 = arith.constant 16 : i32
      %swap3A_276 = arith.constant 0 : index
      %swap3A_277 = tpu.vector_load %arg15[%swap3A_276] {strides = array<i32>} : memref<128xf32, #tpu.memory_space<vmem>>, vector<16xf32>,
      tpu.vector_store %arg15[%swap3A_276], %scan3A_274#0 {strides = array<i32>} : memref<128xf32, #tpu.memory_space<vmem>>, vector<16xf32>,
      %swap3A_278 = arith.constant 16 : index
      %swap3A_279 = tpu.vector_load %arg15[%swap3A_278] {strides = array<i32>} : memref<128xf32, #tpu.memory_space<vmem>>, vector<16xf32>,
      tpu.vector_store %arg15[%swap3A_278], %scan3A_274#1 {strides = array<i32>} : memref<128xf32, #tpu.memory_space<vmem>>, vector<16xf32>,
      %swap3A_280 = arith.constant 32 : index
      %swap3A_281 = tpu.vector_load %arg15[%swap3A_280] {strides = array<i32>} : memref<128xf32, #tpu.memory_space<vmem>>, vector<16xf32>,
      tpu.vector_store %arg15[%swap3A_280], %scan3A_274#2 {strides = array<i32>} : memref<128xf32, #tpu.memory_space<vmem>>, vector<16xf32>,
      %swap3A_282 = arith.constant 48 : index
      %swap3A_283 = tpu.vector_load %arg15[%swap3A_282] {strides = array<i32>} : memref<128xf32, #tpu.memory_space<vmem>>, vector<16xf32>,
      tpu.vector_store %arg15[%swap3A_282], %scan3A_274#3 {strides = array<i32>} : memref<128xf32, #tpu.memory_space<vmem>>, vector<16xf32>,
      %swap3A_284 = arith.constant 64 : index
      %swap3A_285 = tpu.vector_load %arg15[%swap3A_284] {strides = array<i32>} : memref<128xf32, #tpu.memory_space<vmem>>, vector<16xf32>,
      tpu.vector_store %arg15[%swap3A_284], %scan3A_274#4 {strides = array<i32>} : memref<128xf32, #tpu.memory_space<vmem>>, vector<16xf32>,
      %swap3A_286 = arith.constant 80 : index
      %swap3A_287 = tpu.vector_load %arg15[%swap3A_286] {strides = array<i32>} : memref<128xf32, #tpu.memory_space<vmem>>, vector<16xf32>,
      tpu.vector_store %arg15[%swap3A_286], %scan3A_274#5 {strides = array<i32>} : memref<128xf32, #tpu.memory_space<vmem>>, vector<16xf32>,
      %swap3A_288 = arith.constant 96 : index
      %swap3A_289 = tpu.vector_load %arg15[%swap3A_288] {strides = array<i32>} : memref<128xf32, #tpu.memory_space<vmem>>, vector<16xf32>,
      tpu.vector_store %arg15[%swap3A_288], %scan3A_274#6 {strides = array<i32>} : memref<128xf32, #tpu.memory_space<vmem>>, vector<16xf32>,
      %swap3A_290 = arith.constant 112 : index
      %swap3A_291 = tpu.vector_load %arg15[%swap3A_290] {strides = array<i32>} : memref<128xf32, #tpu.memory_space<vmem>>, vector<16xf32>,
      tpu.vector_store %arg15[%swap3A_290], %scan3A_274#7 {strides = array<i32>} : memref<128xf32, #tpu.memory_space<vmem>>, vector<16xf32>,
      %mul3A_292 = arith.constant 128 : i32
      %mul3A_293 = arith.muli %arg1, %mul3A_292 : i32
      "tpu.region"() ({
        %run_scoped3A = tpu.sem_alloc : memref<!tpu.dma_semaphore, #tpu.memory_space<semaphore_mem>>
        %dma_start3A = tpu.memref_slice %arg5[%mul3A_293] : memref<1024xf32, #tpu.memory_space<hbm>> -> memref<128xf32, #tpu.memory_space<hbm>>
        %dma_start3A_294 = tpu.memref_slice %arg5[%mul3A_293] : memref<1024xf32, #tpu.memory_space<hbm>> -> memref<128xf32, #tpu.memory_space<hbm>>
        tpu.enqueue_dma source(%arg15 : memref<128xf32, #tpu.memory_space<vmem>>) target(%dma_start3A_294 : memref<128xf32, #tpu.memory_space<hbm>>) target_semaphore(%run_scoped3A : memref<!tpu.dma_semaphore, #tpu.memory_space<semaphore_mem>>)
        %dma_wait3A = tpu.memref_slice %arg5[%mul3A_293] : memref<1024xf32, #tpu.memory_space<hbm>> -> memref<128xf32, #tpu.memory_space<hbm>>
        %dma_wait3A_295 = tpu.memref_slice %arg5[%mul3A_293] : memref<1024xf32, #tpu.memory_space<hbm>> -> memref<128xf32, #tpu.memory_space<hbm>>
        tpu.wait_dma2 semaphore(%run_scoped3A : memref<!tpu.dma_semaphore, #tpu.memory_space<semaphore_mem>>) src(%arg15 : memref<128xf32, #tpu.memory_space<vmem>>) dst(%dma_wait3A_295 : memref<128xf32, #tpu.memory_space<hbm>>)
        tpu.yield
      }) : () -> ()
    } else {
    }
    return
  }
}

</mosaic_0001>

<sc_bundles>
// kernel: kernel.3.cloned.1.call-start
scs
__scs_entry_jumppad:
0x0: {  	(pc) =	sbr.rel $0x88, $3  }
0x1: {  	(tag) =	ssettag $0x0;
	lr =	simm.s32 $0x1  }
0x2: {  	[smem:$0x3F9E] =	sst lr;
	_ =	strace $0xD0000000  }
0x3: {  	_ = 	snop  }
0x4: {  	_ = 	snop  }
0x5: {  	_ = 	snop  }
0x6: {  	_ = 	snop  }
0x7: {  	_ = 	snop  }
__scs_overlays_trampoline_lowered:
0x8: {  	[smem:$0x3FAD] =	sst s0  }
0x9: {  	[smem:$0x3FAE] =	sst s1  }
0xa: {  	[smem:$0x3FAF] =	sst s2  }
0xb: {  	[smem:$0x3FB0] =	sst s3  }
0xc: {  	[smem:$0x3FB1] =	sst s4  }
0xd: {  	[smem:$0x3FB2] =	sst s5  }
0xe: {  	[smem:$0x3FB3] =	sst s6  }
0xf: {  	[smem:$0x3FB4] =	sst s7  }
0x10: {  	[smem:$0x3FB5] =	sst s8  }
0x11: {  	[smem:$0x3FB6] =	sst s9;
	s0 =	simm.s32 @!p0 $0x0  }
0x12: {  	s1 =	sld [smem:$0x3F9C];
	s0 =	simm.s32 @p0 $0x1  }
0x13: {  	[smem:$0x3FB7] =	sst s0;
	s0 =	simm.s32 @!p1 $0x0  }
0x14: {  	s2 =	sld [smem:$0x3F9B];
	s0 =	simm.s32 @p1 $0x1  }
0x15: {  	[smem:$0x3FB8] =	sst s0;
	s0 =	simm.s32 @!p2 $0x0  }
0x16: {  	s3 =	sld [smem:$0x3FDB];
	s0 =	simm.s32 @p2 $0x1  }
0x17: {  	s4 =	simm.s32 $0x1BF5;
	[smem:$0x3FBA] =	sst s0  }
0x18: {  	s0 =	sld [smem:$0x3F9D];
	_ =	swait.ge [sflag:s4], $0x0  }
0x19: {  	s7 =	sld [smem:$0x3F9E]  }
0x1a: {  	s8 =	sadd.s32 $0xFFFFE003, lr  }
0x1b: {  	s9 =	sadd.s32 $0xFFFFFEF7, lr;
	s5 =	simm.s32 $0xFFFFFFFF;
	p2 =	slt.u32 s8, $0xFFFFF086  }
0x1c: {  	p1 =	slt.u32 s9, $0xF7A;
	s5 =	simm.s32 @!p2 $0x0  }
0x1d: {  	s5 =	simm.s32 @p1 $0x1;
	p0 =	seq.s32 s7, s2  }
0x1e: {  	s7 =	smul.u32 @!p0 $0xF7A, s2;
	p2 =	seq.s32 @!p0 s5, $0x0  }
0x1f: {  	s9 =	smul.u32 $0xF7A, s1;
	s8 =	simm.s32 @!p0 $0x1BF5;
	p2 =	por !p2, p0  }
0x20: {  	[sflag:s8] =	ssyncset.s32 @!p0 $0xFFFFF086;
	s6 =	sadd.s32 @!p0 s3, s7;
	s7 =	simm.s32 @!p0 $0x108  }
0x21: {  	s3 =	sadd.s32 s3, s9;
	s6 =	sadd.s32 @!p0 $0x88, s6;
	s7 =	simm.s32 @p2 $0x1082  }
0x22: {  	[simem:s7], [sflag:s8] =	dma.local @!p0 [hbm:s6], $0xF7A  }
0x23: {  	s9 =	sor.u32 $0xD0000000, s2;
	s6 =	simm.s32 $0x108;
	_ =	swait.ge @!p0 [sflag:s8], $0x0  }
0x24: {  	s3 =	sadd.s32 $0x88, s3;
	s6 =	simm.s32 @!p1 $0x1082;
	[sflag:s4] =	ssyncset.s32 $0xFFFFF086  }
0x25: {  	[simem:s6], [sflag:s4] =	dma.local [hbm:s3], $0xF7A  }
0x26: {  	[smem:$0x3F9E] =	sst s1;
	(tag) =	ssettag s2;
	_ =	strace s9  }
0x27: {  	s1 =	sld [smem:$0x3FAE]  }
0x28: {  	s2 =	sld [smem:$0x3FAF]  }
0x29: {  	s4 =	sld [smem:$0x3FB1]  }
0x2a: {  	p0 =	seq.s32 s5, $0x0;
	s5 =	sld [smem:$0x3FB2]  }
0x2b: {  	s6 =	sld [smem:$0x3FB3]  }
0x2c: {  	s7 =	sld [smem:$0x3FB4]  }
0x2d: {  	s3 =	simm.s32 $0x108;
	s8 =	sld [smem:$0x3FB5]  }
0x2e: {  	s3 =	simm.s32 @!p0 $0x1082;
	s9 =	sld [smem:$0x3FB6]  }
0x2f: {  	lr =	sadd.s32 s0, s3;
	s0 =	sld [smem:$0x3FAD]  }
0x30: {  	s3 =	sld [smem:$0x3FB0]  }
0x31: {  	[smem:$0x3FB9] =	sst s10  }
0x32: {  	s10 =	sld [smem:$0x3FB7];
	_ =	sdelay $0x3  }
0x33: {  	p0 =	seq.s32 s10, $0x1;
	s10 =	sld [smem:$0x3FB9];
	_ =	sdelay $0x3  }
0x34: {  	[smem:$0x3FB9] =	sst s10  }
0x35: {  	s10 =	sld [smem:$0x3FB8];
	_ =	sdelay $0x3  }
0x36: {  	p1 =	seq.s32 s10, $0x1;
	s10 =	sld [smem:$0x3FB9];
	_ =	sdelay $0x3  }
0x37: {  	[smem:$0x3FB9] =	sst s10  }
0x38: {  	s10 =	sld [smem:$0x3FBA]  }
0x39: {  	_ = 	snop;
	(pc) =	sbr.ind lr, $3  }
0x3a: {  	_ = 	snop  }
0x3b: {  	_ = 	snop  }
0x3c: {  	p2 =	seq.s32 s10, $0x1;
	s10 =	sld [smem:$0x3FB9]  }
0x3d: {  	_ =	shalt  }
0x3e: {  	_ =	shalt  }
0x3f: {  	_ =	shalt  }
0x40: {  	_ =	shalt  }
0x41: {  	_ =	shalt  }
0x42: {  	_ =	shalt  }
0x43: {  	_ =	shalt  }
0x44: {  	_ =	shalt  }
0x45: {  	_ =	shalt  }
0x46: {  	_ =	shalt  }
0x47: {  	_ =	shalt  }
0x48: {  	_ =	shalt  }
0x49: {  	_ =	shalt  }
0x4a: {  	_ =	shalt  }
0x4b: {  	_ =	shalt  }
0x4c: {  	_ =	shalt  }
0x4d: {  	_ =	shalt  }
0x4e: {  	_ =	shalt  }
0x4f: {  	_ =	shalt  }
0x50: {  	_ =	shalt  }
0x51: {  	_ =	shalt  }
0x52: {  	_ =	shalt  }
0x53: {  	_ =	shalt  }
0x54: {  	_ =	shalt  }
0x55: {  	_ =	shalt  }
0x56: {  	_ =	shalt  }
0x57: {  	_ =	shalt  }
0x58: {  	_ =	shalt  }
0x59: {  	_ =	shalt  }
0x5a: {  	_ =	shalt  }
0x5b: {  	_ =	shalt  }
0x5c: {  	_ =	shalt  }
0x5d: {  	_ =	shalt  }
0x5e: {  	_ =	shalt  }
0x5f: {  	_ =	shalt  }
0x60: {  	_ =	shalt  }
0x61: {  	_ =	shalt  }
0x62: {  	_ =	shalt  }
0x63: {  	_ =	shalt  }
0x64: {  	_ =	shalt  }
0x65: {  	_ =	shalt  }
0x66: {  	_ =	shalt  }
0x67: {  	_ =	shalt  }
0x68: {  	_ =	shalt  }
0x69: {  	_ =	shalt  }
0x6a: {  	_ =	shalt  }
0x6b: {  	_ =	shalt  }
0x6c: {  	_ =	shalt  }
0x6d: {  	_ =	shalt  }
0x6e: {  	_ =	shalt  }
0x6f: {  	_ =	shalt  }
0x70: {  	_ =	shalt  }
0x71: {  	_ =	shalt  }
0x72: {  	_ =	shalt  }
0x73: {  	_ =	shalt  }
0x74: {  	_ =	shalt  }
0x75: {  	_ =	shalt  }
0x76: {  	_ =	shalt  }
0x77: {  	_ =	shalt  }
0x78: {  	_ =	shalt  }
0x79: {  	_ =	shalt  }
0x7a: {  	_ =	shalt  }
0x7b: {  	_ =	shalt  }
0x7c: {  	_ =	shalt  }
0x7d: {  	_ =	shalt  }
0x7e: {  	_ =	shalt  }
0x7f: {  	_ =	shalt  }
0x80: {  	_ =	shalt  }
0x81: {  	_ =	shalt  }
0x82: {  	_ =	shalt  }
0x83: {  	_ =	shalt  }
0x84: {  	_ =	shalt  }
0x85: {  	_ =	shalt  }
0x86: {  	_ =	shalt  }
0x87: {  	_ =	shalt  }
.Lfunc_end0:
.L_simem_size_0:
called_computation_lowered:
.L_overlay_start_0:
0x88: {  	s0 =	sld [smem:$0x3FD9]  }
0x89: {  	s1 =	sld [smem:$0x3FFE];
	_ =	sdelay $0x3  }
0x8a: {  	s0 =	sadd.s32 s1, s0  }
0x8b: {  	[smem:$0x3FC5] =	sst s0  }
0x8c: {  	_ = 	snop  }
0x8d: {  	s0 =	sld [smem:$0x3FC8]  }
0x8e: {  	s16 =	sld [smem:$0x3FC7]  }
0x8f: {  	s2 =	sld [smem:$0x3FD0];
	(tm) =	ssettm $0x1  }
0x90: {  	s3 =	sld [smem:$0x3FFB];
	_ =	sdelay $0x3  }
0x91: {  	_ =	strace s3  }
0x92: {  	s3 =	sld [smem:$0x3FFC];
	_ =	sdelay $0x3  }
0x93: {  	_ =	strace s3  }
0x94: {  	s3 =	sld [smem:$0x3FFD];
	_ =	sdelay $0x3  }
0x95: {  	_ =	strace s3  }
0x96: {  	_ =	strace $0x8FFFFFFF  }
0x97: {  	s17 =	sld [smem:$0x3FDB];
	_ =	sdelay $0x1  }
0x98: {  	s4 =	simm.s32 $_scs_section_size  }
0x99: {  	s5 =	simm.s32 $_size__tile_overlayer_lowered;
	s6 =	simm.s32 $_tile_overlayer_lowered  }
0x9a: {  	s20 =	simm.s32 $0x1BFF;
	s19 =	sshll.u32 s6, $0x1;
	s3 =	sadd.s32 s4, s17  }
0x9b: {  	s7 =	simm.s32 $0x0;
	s18 =	sshll.u32 s5, $0x1;
	s5 =	sadd.s32 s19, s3  }
0x9c: {  	[timem:s7], [sflag:s20] =	dma.local [hbm:s5], s18  }
0x9d: {  	_ =	swait.ge [sflag:s20], s18  }
0x9e: {  	s4 =	ssub.s32 $0x0, s18;
	[sflag:s20] =	ssyncset.done $0x0  }
0x9f: {  	[sflag:s20] =	ssyncadd.s32 s4;
	_ =	sdelay $0x1  }
0xa0: {  	s21 =	simm.s32 $0x1B8B  }
0xa1: {  	_ =	swait.ge [sflag:s21], $0x1  }
0xa2: {  	[sflag:s21] =	ssyncset.done $0x0  }
0xa3: {  	s23 =	simm.s32 $0x1B8E;
	s22 =	sld [smem:$0x3FFE];
	[sflag:s21] =	ssyncadd.s32 $0xFFFFFFFF  }
0xa4: {  	s24 =	simm.s32 $execute0_lowered;
	[smem:$0x3FD2] =	sst s23  }
0xa5: {  	s5 =	sshll.u32 s24, $0x1;
	_ =	strace $0x80000046;
	[dreg:$0x1] =	wrdreg $0xFFFFFFFF  }
0xa6: {  	s25 =	simm.s32 $_size_execute0_lowered;
	s3 =	sadd.s32 s3, s5;
	[dreg:$0x0] =	wrdreg $0x0  }
0xa7: {  	s5 =	sshll.u32 s25, $0x1;
	[dreg:$0x2] =	wrdreg s3  }
0xa8: {  	[dreg:$0x3] =	wrdreg s5  }
0xa9: {  	[dreg:$0x4] =	wrdreg $0xC0  }
0xaa: {  	_ =	task [dreg:s7], $0x5FFFF  }
0xab: {  	[dreg:$0x1] =	wrdreg $0xFFFFFFFF  }
0xac: {  	[dreg:$0x0] =	wrdreg $0x60  }
0xad: {  	[dreg:$0x2] =	wrdreg s22  }
0xae: {  	[dreg:$0x3] =	wrdreg s0  }
0xaf: {  	[dreg:$0x4] =	wrdreg s16  }
0xb0: {  	[dreg:$0x5] =	wrdreg s2  }
0xb1: {  	[dreg:$0x6] =	wrdreg $0x57800  }
0xb2: {  	[dreg:$0x7] =	wrdreg $0x57900  }
0xb3: {  	[dreg:$0x8] =	wrdreg $0x9  }
0xb4: {  	_ =	task.clear_ibuf [dreg:s7], $0x9FFFF;
	_ =	strace $0x90000046  }
0xb5: {  	s26 =	simm.s32 $0x9;
	_ =	strace $0x80000048  }
0xb6: {  	_ =	swait.ge [sflag:s26], $0x1  }
0xb7: {  	[sflag:s26] =	ssyncadd.s32 $0xFFFFFFFF  }
0xb8: {  	_ =	strace $0x90000048  }
0xb9: {  	_ =	sfence  }
0xba: {  	s28 =	sld [smem:$0x0];
	_ =	sdelay $0x1  }
0xbb: {  	s29 =	srdreg.scid  }
0xbc: {  	s30 =	sshll.u32 s29, $0xD;
	s31 =	sshrl.u32 s29, $0x2  }
0xbd: {  	s1 =	sand.u32 $0x1, s29;
	s2 =	sand.u32 $0x4000, s30;
	s0 =	sadd.s32 s31, s28  }
0xbe: {  	s1 =	sor.u32 s2, s1;
	s0 =	sshll.u32 s0, $0x11  }
0xbf: {  	s0 =	sor.u32 s0, s1  }
0xc0: {  	s0 =	sadd.s32 $0x8F2B, s0  }
0xc1: {  	[sflag:s0] =	ssyncadd.remote.s32 $0x1  }
0xc2: {  	_ =	sfence.sel $0xFFFF  }
0xc3: {  	[dreg:$0x0] =	wrdreg $0xFFFFFFFF;
	(pc) =	sbr.abs _section_cstart, $3  }
0xc4: {  	[dreg:$0x1] =	wrdreg $0xFFFFFFFF  }
0xc5: {  	_ =	task.clear_ibuf [dreg:s7], $0x2FFFF;
	_ =	strace $0x9FFFFFFF  }
0xc6: {  	(tm) =	ssettm $0x7FFFFFFF  }
0xc7: {  	_ =	shalt  }
tec
execute0_lowered:
.L_overlay_start_1:
0x0: {  	(tag) =	ssettag $0x1  }
0x1: {  	s4 =	rddreg [dreg:$0x0]  }
0x2: {  	s6 =	rddreg [dreg:$0x1]  }
0x3: {  	s7 =	rddreg [dreg:$0x2]  }
0x4: {  	s2 =	rddreg [dreg:$0x3]  }
0x5: {  	s5 =	rddreg [dreg:$0x4]  }
0x6: {  	s3 =	rddreg [dreg:$0x5]  }
0x7: {  	s0 =	rddreg [dreg:$0x6];
	s8 =	simm.s32 $0x0;
	s1 =	stileid.u32  }
0x8: {  	[smem:$0x7FF] =	sst s8;
	p0 =	seq.s32 s1, $0xF  }
0x9: {  	_ =	strace $0x80000047;
	s8 =	sadd.s32 @p0 $0x2DD2, s4;
	s9 =	simm.s32 @p0 $0x0  }
0xa: {  	[tilespmem:s9], [sflag:$0x1] =	stream.linear.gather @p0 [hbm4b:s8+s9], $0x1810, $0x38;
	[tilespmem:$0x5B90] =	vst v63  }
0xb: {  	s8 =	simm.s32 @p0 $0x1  }
0xc: {  	_ =	swait.ge @p0 [sflag:s8], $0x1810  }
0xd: {  	[sflag:s8] =	ssyncset.done @p0 $0x0  }
0xe: {  	s10 =	sadd.s32 @p0 $0x2DD2, s6;
	s11 =	simm.s32 @p0 $0x1880;
	[sflag:s8] =	ssyncadd.s32 @p0 $0xFFFFE7F0  }
0xf: {  	[tilespmem:s11], [sflag:$0x1] =	stream.linear.gather @p0 [hbm4b:s10+s9], $0x1810, $0x38;
	[tilespmem:$0x5B90] =	vst v63  }
0x10: {  	_ =	swait.ge @p0 [sflag:s8], $0x1810  }
0x11: {  	[sflag:s8] =	ssyncset.done @p0 $0x0  }
0x12: {  	s10 =	simm.s32 @p0 $0x3100;
	[sflag:s8] =	ssyncadd.s32 @p0 $0xFFFFE7F0  }
0x13: {  	[tilespmem:s10], [sflag:$0x1] =	stream.linear.gather @p0 [hbm4b:s7+s9], $0x56, $0x38;
	[tilespmem:$0x5B90] =	vst v63  }
0x14: {  	_ =	swait.ge @p0 [sflag:s8], $0x56  }
0x15: {  	[sflag:s8] =	ssyncset.done @p0 $0x0  }
0x16: {  	v0 =	vimm.s32 @p0 $0x55;
	[sflag:s8] =	ssyncadd.s32 @p0 $0xFFFFFFAA  }
0x17: {  	v1 =	vimm.s32 @p0 $0x400;
	[tilespmem:$0x1810] =	vst @p0 v0  }
0x18: {  	[tilespmem:$0x3090] =	vst @p0 v1  }
0x19: {  	[tilespmem:$0x1820] =	vst @p0 v0  }
0x1a: {  	[tilespmem:$0x30A0] =	vst @p0 v1  }
0x1b: {  	[tilespmem:$0x1830] =	vst @p0 v0  }
0x1c: {  	[tilespmem:$0x30B0] =	vst @p0 v1  }
0x1d: {  	[tilespmem:$0x1840] =	vst @p0 v0  }
0x1e: {  	[tilespmem:$0x30C0] =	vst @p0 v1  }
0x1f: {  	[tilespmem:$0x1850] =	vst @p0 v0  }
0x20: {  	s8 =	smul.u32 @!p0 $0x30E, s1;
	[tilespmem:$0x30D0] =	vst @p0 v1  }
0x21: {  	[tilespmem:$0x1860] =	vst @p0 v0  }
0x22: {  	s9 =	simm.s32 @!p0 $0x0;
	[tilespmem:$0x30E0] =	vst @p0 v1;
	s4 =	sadd.s32 @!p0 s4, s8  }
0x23: {  	[tilespmem:s9], [sflag:$0x1] =	stream.linear.gather @!p0 [hbm4b:s4+s9], $0x1870, $0x38;
	[tilespmem:$0x5B90] =	vst v63  }
0x24: {  	s4 =	simm.s32 @!p0 $0x1  }
0x25: {  	_ =	swait.ge @!p0 [sflag:s4], $0x1870  }
0x26: {  	[sflag:s4] =	ssyncset.done @!p0 $0x0  }
0x27: {  	s6 =	sadd.s32 @!p0 s6, s8;
	s8 =	simm.s32 @!p0 $0x1880;
	[sflag:s4] =	ssyncadd.s32 @!p0 $0xFFFFE790  }
0x28: {  	[tilespmem:s8], [sflag:$0x1] =	stream.linear.gather @!p0 [hbm4b:s6+s9], $0x1870, $0x38;
	[tilespmem:$0x5B90] =	vst v63  }
0x29: {  	_ =	swait.ge @!p0 [sflag:s4], $0x1870  }
0x2a: {  	[sflag:s4] =	ssyncset.done @!p0 $0x0  }
0x2b: {  	s6 =	simm.s32 @!p0 $0x3100;
	[sflag:s4] =	ssyncadd.s32 @!p0 $0xFFFFE790  }
0x2c: {  	[tilespmem:s6], [sflag:$0x1] =	stream.linear.gather @!p0 [hbm4b:s7+s9], $0x56, $0x38;
	[tilespmem:$0x5B90] =	vst v63  }
0x2d: {  	_ =	swait.ge @!p0 [sflag:s4], $0x56  }
0x2e: {  	[sflag:s4] =	ssyncset.done @!p0 $0x0  }
0x2f: {  	s26 =	simm.s32 $0x0;
	[sflag:s4] =	ssyncadd.s32 @!p0 $0xFFFFFFAA  }
0x30: {  	v0 =	vld [tilespmem:s26+$0x0];
	_ =	sdelay $0x1  }
0x31: {  	v1 =	vld [tilespmem:s26+$0x10];
	_ =	sdelay $0x1  }
0x32: {  	v2 =	vimm.s32 $0x40000000;
	v3 =	vld [tilespmem:s26+$0x20]  }
0x33: {  	vm0 =	vlt.s32 v2, v0  }
0x34: {  	v0 =	vsel vm0, v2, v0;
	v2 =	vld [tilespmem:s26+$0x30]  }
0x35: {  	vm0 =	vlt.s32 v0, v1  }
0x36: {  	v4 =	vld [tilespmem:s26+$0x40];
	v0 =	vsel vm0, v0, v1  }
0x37: {  	vm0 =	vlt.s32 v0, v3  }
0x38: {  	v1 =	vsel vm0, v0, v3;
	v0 =	vld [tilespmem:s26+$0x50]  }
0x39: {  	vm0 =	vlt.s32 v1, v2  }
0x3a: {  	s28 =	sshll.u32 s1, $0xA;
	s29 =	sshll.u32 s1, $0x7;
	s31 =	sshll.u32 s1, $0x4;
	v2 =	vsel vm0, v1, v2;
	v1 =	vld [tilespmem:s26+$0x60]  }
0x3b: {  	s30 =	sand.u32 $0x2000, s28;
	s2 =	sadd.s32 s2, s31;
	s8 =	simm.s32 $0x400;
	vm0 =	vlt.s32 v2, v4  }
0x3c: {  	s6 =	sadd.s32 s29, s5;
	s9 =	sadd.s32 s30, s3;
	s4 =	sand.u32 $0x380, s29;
	v3 =	vsel vm0, v2, v4;
	v2 =	vld [tilespmem:s26+$0x70]  }
0x3d: {  	s3 =	sadd.s32 s28, s3;
	s7 =	simm.s32 $0x80;
	s4 =	sadd.s32 s4, s9;
	vm0 =	vlt.s32 v3, v0  }
.LBB2_1:
0x3e: {  	p0 =	sne.s32 s8, $0x5E00;
	v4 =	vld [tilespmem:s7+$0x0];
	v0 =	vsel vm0, v3, v0  }
0x3f: {  	vm0 =	vlt.s32 v0, v1  }
0x40: {  	v3 =	vld [tilespmem:s7+$0x10];
	v0 =	vsel vm0, v0, v1  }
0x41: {  	vm0 =	vlt.s32 v0, v2  }
0x42: {  	v1 =	vld [tilespmem:s7+$0x20];
	v0 =	vsel vm0, v0, v2  }
0x43: {  	vm0 =	vlt.s32 v0, v4  }
0x44: {  	v0 =	vsel vm0, v0, v4;
	v2 =	vld [tilespmem:s7+$0x30]  }
0x45: {  	vm0 =	vlt.s32 v0, v3  }
0x46: {  	v0 =	vsel vm0, v0, v3;
	v3 =	vld [tilespmem:s7+$0x40]  }
0x47: {  	vm0 =	vlt.s32 v0, v1  }
0x48: {  	v1 =	vsel vm0, v0, v1;
	v0 =	vld [tilespmem:s7+$0x50]  }
.Ltmp0:
0x49: {  	vm0 =	vlt.s32 v1, v2;
	(pc) =	sbr.rel @p0 .LBB2_1-.Ltmp0, $4  }
0x4a: {  	v2 =	vsel vm0, v1, v2;
	v1 =	vld [tilespmem:s7+$0x60]  }
0x4b: {  	vm0 =	vlt.s32 v2, v3  }
0x4c: {  	v3 =	vsel vm0, v2, v3;
	v2 =	vld [tilespmem:s7+$0x70]  }
0x4d: {  	s7 =	sshra.s32 s8, $0x2;
	s8 =	sadd.s32 $0x200, s8;
	vm0 =	vlt.s32 v3, v0  }
0x4e: {  	v4 =	vld [tilespmem:s7+$0x0];
	v0 =	vsel vm0, v3, v0  }
0x4f: {  	vm0 =	vlt.s32 v0, v1  }
0x50: {  	v3 =	vld [tilespmem:s7+$0x10];
	v0 =	vsel vm0, v0, v1  }
0x51: {  	vm0 =	vlt.s32 v0, v2  }
0x52: {  	v1 =	vld [tilespmem:s7+$0x20];
	v0 =	vsel vm0, v0, v2  }
0x53: {  	vm0 =	vlt.s32 v0, v4  }
0x54: {  	v2 =	vld [tilespmem:s7+$0x30];
	v0 =	vsel vm0, v0, v4  }
0x55: {  	vm0 =	vlt.s32 v0, v3  }
0x56: {  	v0 =	vsel vm0, v0, v3;
	v3 =	vld [tilespmem:s7+$0x40]  }
0x57: {  	vm0 =	vlt.s32 v0, v1  }
0x58: {  	v0 =	vsel vm0, v0, v1;
	v1 =	vld [tilespmem:s7+$0x50]  }
0x59: {  	vm0 =	vlt.s32 v0, v2  }
0x5a: {  	v0 =	vsel vm0, v0, v2;
	v2 =	vld [tilespmem:s7+$0x60]  }
0x5b: {  	vm0 =	vlt.s32 v0, v3  }
0x5c: {  	v0 =	vsel vm0, v0, v3;
	v3 =	vld [tilespmem:s7+$0x70]  }
0x5d: {  	vm0 =	vlt.s32 v0, v1  }
0x5e: {  	v0 =	vsel vm0, v0, v1;
	v1 =	vld [tilespmem:$0x1800]  }
0x5f: {  	vm0 =	vlt.s32 v0, v2  }
0x60: {  	v0 =	vsel vm0, v0, v2;
	v2 =	vld [tilespmem:$0x1810]  }
0x61: {  	vm0 =	vlt.s32 v0, v3  }
0x62: {  	v0 =	vsel vm0, v0, v3;
	v3 =	vld [tilespmem:$0x1820]  }
0x63: {  	vm0 =	vlt.s32 v0, v1  }
0x64: {  	v0 =	vsel vm0, v0, v1;
	v1 =	vld [tilespmem:$0x1830]  }
0x65: {  	vm0 =	vlt.s32 v0, v2  }
0x66: {  	v0 =	vsel vm0, v0, v2;
	v2 =	vld [tilespmem:$0x1840]  }
0x67: {  	vm0 =	vlt.s32 v0, v3  }
0x68: {  	v0 =	vsel vm0, v0, v3;
	v3 =	vld [tilespmem:$0x1850]  }
0x69: {  	vm0 =	vlt.s32 v0, v1  }
0x6a: {  	v0 =	vsel vm0, v0, v1;
	v1 =	vld [tilespmem:$0x1860]  }
0x6b: {  	vm0 =	vlt.s32 v0, v2  }
0x6c: {  	v0 =	vsel vm0, v0, v2  }
0x6d: {  	vm0 =	vlt.s32 v0, v3  }
0x6e: {  	v0 =	vsel vm0, v0, v3  }
0x6f: {  	vm0 =	vlt.s32 v0, v1  }
0x70: {  	v0 =	vsel vm0, v0, v1  }
0x71: {  	s30 =	simm.s32 $0x4680;
	s31 =	simm.s32 $0x1;
	[tilespmem:$0x4680] =	vst v0  }
0x72: {  	[spmem:s6] =	stream.linear.scatter [tilespmem:s30], [sflag:$0x1], $0x80, $0x38;
	[tilespmem:$0x5B90] =	vst v63  }
0x73: {  	_ =	swait.ge [sflag:s31], $0x80  }
0x74: {  	[sflag:s31] =	ssyncset.done $0x0  }
0x75: {  	s7 =	simm.s32 $0x0;
	v0 =	vimm.f32 $0.0e+00;
	s6 =	simm.s32 $0x40;
	[sflag:s31] =	ssyncadd.s32 $0xFFFFFF80  }
.LBB2_3:
0x76: {  	p0 =	sne.s32 s6, $0x4100;
	[tilespmem:s7+$0x3200] =	vst v0;
	s7 =	smov.u32 s6;
	s6 =	sadd.s32 $0x40, s6  }
.Ltmp1:
0x77: {  	(pc) =	sbr.rel @p0 .LBB2_3-.Ltmp1, $2  }
0x78: {  	_ =	sdelay $0x2  }
0x79: {  	s7 =	sshra.s32 s7, $0x2  }
0x7a: {  	[tilespmem:s7+$0x3200] =	vst v0  }
0x7b: {  	s6 =	simm.s32 $0x4700;
	[bflag:$0x0] =	sbarrier.arrive $0xFFFF  }
0x7c: {  	[tilespmem:s6], [sflag:$0x1] =	stream.linear.gather [spmem:s5], $0x800, $0x38;
	[tilespmem:$0x5B90] =	vst v63  }
0x7d: {  	s5 =	simm.s32 $0x1  }
0x7e: {  	_ =	swait.ge [sflag:s5], $0x800  }
0x7f: {  	[sflag:s5] =	ssyncset.done $0x0  }
0x80: {  	[sflag:s5] =	ssyncadd.s32 $0xFFFFF800  }
0x81: {  	v0 =	vld [tilespmem:$0x4700]  }
0x82: {  	v1 =	vld [tilespmem:$0x4780];
	_ =	sdelay $0x1  }
0x83: {  	v2 =	vld [tilespmem:$0x4800];
	_ =	sdelay $0x1  }
0x84: {  	v3 =	vld [tilespmem:$0x4880]  }
0x85: {  	vm0 =	vlt.s32 v0, v1  }
0x86: {  	v0 =	vsel vm0, v0, v1;
	v1 =	vld [tilespmem:$0x4900]  }
0x87: {  	vm0 =	vlt.s32 v0, v2  }
0x88: {  	v0 =	vsel vm0, v0, v2;
	v2 =	vld [tilespmem:$0x4980]  }
0x89: {  	vm0 =	vlt.s32 v0, v3  }
0x8a: {  	v0 =	vsel vm0, v0, v3;
	v3 =	vld [tilespmem:$0x4A00]  }
0x8b: {  	vm0 =	vlt.s32 v0, v1  }
0x8c: {  	v0 =	vsel vm0, v0, v1;
	v1 =	vld [tilespmem:$0x4A80]  }
0x8d: {  	vm0 =	vlt.s32 v0, v2  }
0x8e: {  	v0 =	vsel vm0, v0, v2;
	v2 =	vld [tilespmem:$0x4B00]  }
0x8f: {  	vm0 =	vlt.s32 v0, v3  }
0x90: {  	v0 =	vsel vm0, v0, v3;
	v3 =	vld [tilespmem:$0x4B80]  }
0x91: {  	vm0 =	vlt.s32 v0, v1  }
0x92: {  	v0 =	vsel vm0, v0, v1;
	v1 =	vld [tilespmem:$0x4C00]  }
0x93: {  	vm0 =	vlt.s32 v0, v2  }
0x94: {  	v0 =	vsel vm0, v0, v2;
	v2 =	vld [tilespmem:$0x4C80]  }
0x95: {  	vm0 =	vlt.s32 v0, v3  }
0x96: {  	v0 =	vsel vm0, v0, v3;
	v3 =	vld [tilespmem:$0x4D00]  }
0x97: {  	vm0 =	vlt.s32 v0, v1  }
0x98: {  	v0 =	vsel vm0, v0, v1;
	v1 =	vld [tilespmem:$0x4D80]  }
0x99: {  	vm0 =	vlt.s32 v0, v2  }
0x9a: {  	v0 =	vsel vm0, v0, v2;
	v2 =	vld [tilespmem:$0x4E00]  }
0x9b: {  	vm0 =	vlt.s32 v0, v3  }
0x9c: {  	v0 =	vsel vm0, v0, v3;
	v3 =	vld [tilespmem:$0x4E80]  }
0x9d: {  	vm0 =	vlt.s32 v0, v1  }
0x9e: {  	v0 =	vsel vm0, v0, v1  }
0x9f: {  	vm0 =	vlt.s32 v0, v2  }
0xa0: {  	v0 =	vsel vm0, v0, v2  }
0xa1: {  	vm0 =	vlt.s32 v0, v3  }
0xa2: {  	v0 =	vsel vm0, v0, v3  }
0xa3: {  	vm0 =	vlt.s32 v0, $0x40000000  }
0xa4: {  	v0 =	vnsel vm0, $0x40000000, v0  }
0xa5: {  	(v2sf) =	vpush v0, $0x0  }
0xa6: {  	(v2sf) =	vpush v0, $0x1;
	_ =	sdelay $0x1  }
0xa7: {  	(v2sf) =	vpush v0, $0x2;
	_ =	sdelay $0x1  }
0xa8: {  	(v2sf) =	vpush v0, $0x3;
	_ =	sdelay $0x1  }
0xa9: {  	(v2sf) =	vpush v0, $0x4;
	_ =	sdelay $0x1  }
0xaa: {  	(v2sf) =	vpush v0, $0x5;
	_ =	sdelay $0x1  }
0xab: {  	(v2sf) =	vpush v0, $0x6;
	_ =	sdelay $0x1  }
0xac: {  	(v2sf) =	vpush v0, $0x7;
	_ =	sdelay $0x1  }
0xad: {  	s6 =	spop (v2sf);
	(v2sf) =	vpush v0, $0x8  }
0xae: {  	s7 =	spop (v2sf)  }
0xaf: {  	(v2sf) =	vpush v0, $0x9;
	p0 =	slt.s32 s6, s7  }
0xb0: {  	s7 =	smov.u32 @p0 s6;
	s6 =	spop (v2sf)  }
0xb1: {  	(v2sf) =	vpush v0, $0xA;
	p0 =	slt.s32 s7, s6  }
0xb2: {  	s6 =	smov.u32 @p0 s7;
	s7 =	spop (v2sf)  }
0xb3: {  	(v2sf) =	vpush v0, $0xB;
	p0 =	slt.s32 s6, s7  }
0xb4: {  	s7 =	smov.u32 @p0 s6;
	s6 =	spop (v2sf)  }
0xb5: {  	(v2sf) =	vpush v0, $0xC;
	p0 =	slt.s32 s7, s6  }
0xb6: {  	s6 =	smov.u32 @p0 s7;
	s7 =	spop (v2sf)  }
0xb7: {  	(v2sf) =	vpush v0, $0xD;
	p0 =	slt.s32 s6, s7  }
0xb8: {  	s7 =	smov.u32 @p0 s6;
	s6 =	spop (v2sf)  }
0xb9: {  	(v2sf) =	vpush v0, $0xE;
	p0 =	slt.s32 s7, s6  }
0xba: {  	s6 =	smov.u32 @p0 s7;
	s7 =	spop (v2sf)  }
0xbb: {  	(v2sf) =	vpush v0, $0xF;
	p0 =	slt.s32 s6, s7  }
0xbc: {  	s8 =	spop (v2sf);
	s7 =	smov.u32 @p0 s6  }
0xbd: {  	p0 =	slt.s32 s7, s8  }
0xbe: {  	s6 =	spop (v2sf);
	s8 =	smov.u32 @p0 s7  }
0xbf: {  	p0 =	slt.s32 s8, s6  }
0xc0: {  	s7 =	spop (v2sf);
	s6 =	smov.u32 @p0 s8  }
0xc1: {  	p0 =	slt.s32 s6, s7  }
0xc2: {  	s8 =	spop (v2sf);
	s7 =	smov.u32 @p0 s6  }
0xc3: {  	p0 =	slt.s32 s7, s8  }
0xc4: {  	s6 =	spop (v2sf);
	s8 =	smov.u32 @p0 s7  }
0xc5: {  	p0 =	slt.s32 s8, s6  }
0xc6: {  	s7 =	spop (v2sf);
	s6 =	smov.u32 @p0 s8  }
0xc7: {  	p0 =	slt.s32 s6, s7  }
0xc8: {  	s8 =	spop (v2sf);
	s7 =	smov.u32 @p0 s6  }
0xc9: {  	p0 =	slt.s32 s7, s8  }
0xca: {  	s6 =	spop (v2sf);
	s8 =	smov.u32 @p0 s7  }
0xcb: {  	p0 =	slt.s32 s8, s6  }
0xcc: {  	s6 =	smov.u32 @p0 s8  }
0xcd: {  	p0 =	sgt.s32 s6, $0x0  }
0xce: {  	s5 =	simm.s32 @!p0 $0x0  }
0xcf: {  	v1 =	vlaneseq.u32;
	v0 =	vmov s5  }
0xd0: {  	v2 =	vsub.s32 v1, v0  }
0xd1: {  	vm15 =	vgt.s32 v2, $0x0  }
0xd2: {  	v2 =	vnsel vm15, $0x0, v2;
	_ =	sdelay $0x3  }
0xd3: {  	s31 =	simm.s32 $0x3100  }
0xd4: {  	v3 =	vor.u32 $0x10, v1;
	v2 =	vld.idx.msk [tilespmem:v2+s31+$0x0], $0xffff  }
0xd5: {  	v3 =	vsub.s32 v3, v0;
	_ =	sdelay $0x3  }
0xd6: {  	[tilespmem:$0x3180] =	vst v2  }
0xd7: {  	v2 =	vld.idx.msk [tilespmem:v3+s31+$0x0], $0xffff;
	v3 =	vor.u32 $0x20, v1  }
0xd8: {  	v3 =	vsub.s32 v3, v0;
	_ =	sdelay $0x3  }
0xd9: {  	[tilespmem:$0x3190] =	vst v2  }
0xda: {  	v2 =	vld.idx.msk [tilespmem:v3+s31+$0x0], $0xffff;
	v3 =	vor.u32 $0x30, v1  }
0xdb: {  	v3 =	vsub.s32 v3, v0;
	_ =	sdelay $0x3  }
0xdc: {  	[tilespmem:$0x31A0] =	vst v2  }
0xdd: {  	v2 =	vld.idx.msk [tilespmem:v3+s31+$0x0], $0xffff;
	v3 =	vor.u32 $0x40, v1  }
0xde: {  	v3 =	vsub.s32 v3, v0;
	_ =	sdelay $0x3  }
0xdf: {  	[tilespmem:$0x31B0] =	vst v2  }
0xe0: {  	v2 =	vld.idx.msk [tilespmem:v3+s31+$0x0], $0xffff;
	v3 =	vor.u32 $0x50, v1  }
0xe1: {  	v0 =	vsub.s32 v3, v0;
	_ =	sdelay $0x3  }
0xe2: {  	[tilespmem:$0x31C0] =	vst v2  }
0xe3: {  	v0 =	vld.idx.msk [tilespmem:v0+s31+$0x0], $0xffff;
	_ =	sdelay $0x3  }
0xe4: {  	s9 =	simm.s32 $0x3200;
	s7 =	simm.s32 $0x1880;
	v3 =	vand.u32 $0x3, v1  }
0xe5: {  	s8 =	simm.s32 $0x3180;
	s6 =	simm.s32 $0x0;
	s5 =	simm.s32 $0x30;
	v2 =	vmul.u32 $0x187, v1;
	v1 =	vmul.u32 $0x411, v3;
	[tilespmem:$0x31D0] =	vst v0  }
.LBB2_5:
0xe6: {  	_ =	sdelay $0x1  }
0xe7: {  	v0 =	vmov v2;
	_ =	sdelay $0x1  }
0xe8: {  	v2 =	vld.idx.msk [tilespmem:v2+s6+$0x0], $0xffff;
	_ =	sdelay $0x2  }
0xe9: {  	v3 =	vld.idx.msk [tilespmem:v0+s7+$0x0], $0xffff;
	_ =	sdelay $0x4  }
0xea: {  	v2 =	vld.idx.msk [tilespmem:v2+s8+$0x0], $0xffff;
	v3 =	vadd.s32 v1, v3  }
0xeb: {  	v4 =	vadd.s32 $0x1, v0;
	_ =	sdelay $0x3  }
0xec: {  	[tilespmem:v3+s9+$0x0] =	vst.idx.add.f32.msk $0xffff, v2  }
0xed: {  	v2 =	vld.idx.msk [tilespmem:v4+s6+$0x0], $0xffff;
	_ =	sdelay $0x2  }
0xee: {  	v3 =	vld.idx.msk [tilespmem:v4+s7+$0x0], $0xffff;
	_ =	sdelay $0x4  }
0xef: {  	v3 =	vadd.s32 v1, v3;
	v2 =	vld.idx.msk [tilespmem:v2+s8+$0x0], $0xffff  }
0xf0: {  	v58 =	vadd.s32 $0x2, v0;
	_ =	sdelay $0x3  }
0xf1: {  	[tilespmem:v3+s9+$0x0] =	vst.idx.add.f32.msk $0xffff, v2  }
0xf2: {  	v2 =	vld.idx.msk [tilespmem:v58+s6+$0x0], $0xffff;
	_ =	sdelay $0x2  }
0xf3: {  	v3 =	vld.idx.msk [tilespmem:v58+s7+$0x0], $0xffff;
	_ =	sdelay $0x4  }
0xf4: {  	v3 =	vadd.s32 v1, v3;
	v2 =	vld.idx.msk [tilespmem:v2+s8+$0x0], $0xffff  }
0xf5: {  	v59 =	vadd.s32 $0x3, v0;
	_ =	sdelay $0x3  }
0xf6: {  	[tilespmem:v3+s9+$0x0] =	vst.idx.add.f32.msk $0xffff, v2  }
0xf7: {  	v2 =	vld.idx.msk [tilespmem:v59+s6+$0x0], $0xffff;
	_ =	sdelay $0x2  }
0xf8: {  	v3 =	vld.idx.msk [tilespmem:v59+s7+$0x0], $0xffff;
	_ =	sdelay $0x4  }
0xf9: {  	v3 =	vadd.s32 v1, v3;
	v2 =	vld.idx.msk [tilespmem:v2+s8+$0x0], $0xffff  }
0xfa: {  	v60 =	vadd.s32 $0x4, v0;
	_ =	sdelay $0x3  }
0xfb: {  	[tilespmem:v3+s9+$0x0] =	vst.idx.add.f32.msk $0xffff, v2  }
0xfc: {  	v2 =	vld.idx.msk [tilespmem:v60+s6+$0x0], $0xffff;
	_ =	sdelay $0x2  }
0xfd: {  	v3 =	vld.idx.msk [tilespmem:v60+s7+$0x0], $0xffff;
	_ =	sdelay $0x4  }
0xfe: {  	v3 =	vadd.s32 v1, v3;
	v2 =	vld.idx.msk [tilespmem:v2+s8+$0x0], $0xffff  }
0xff: {  	v61 =	vadd.s32 $0x5, v0;
	_ =	sdelay $0x3  }
0x100: {  	[tilespmem:v3+s9+$0x0] =	vst.idx.add.f32.msk $0xffff, v2  }
0x101: {  	v2 =	vld.idx.msk [tilespmem:v61+s6+$0x0], $0xffff;
	_ =	sdelay $0x2  }
0x102: {  	v3 =	vld.idx.msk [tilespmem:v61+s7+$0x0], $0xffff;
	_ =	sdelay $0x4  }
0x103: {  	v3 =	vadd.s32 v1, v3;
	v2 =	vld.idx.msk [tilespmem:v2+s8+$0x0], $0xffff  }
0x104: {  	v62 =	vadd.s32 $0x6, v0;
	_ =	sdelay $0x3  }
0x105: {  	[tilespmem:v3+s9+$0x0] =	vst.idx.add.f32.msk $0xffff, v2  }
0x106: {  	v2 =	vld.idx.msk [tilespmem:v62+s6+$0x0], $0xffff;
	_ =	sdelay $0x2  }
0x107: {  	v3 =	vld.idx.msk [tilespmem:v62+s7+$0x0], $0xffff;
	_ =	sdelay $0x4  }
0x108: {  	v3 =	vadd.s32 v1, v3;
	v2 =	vld.idx.msk [tilespmem:v2+s8+$0x0], $0xffff  }
0x109: {  	v63 =	vadd.s32 $0x7, v0;
	_ =	sdelay $0x3  }
0x10a: {  	[tilespmem:v3+s9+$0x0] =	vst.idx.add.f32.msk $0xffff, v2  }
0x10b: {  	v2 =	vld.idx.msk [tilespmem:v63+s6+$0x0], $0xffff;
	_ =	sdelay $0x2  }
0x10c: {  	v3 =	vld.idx.msk [tilespmem:v63+s7+$0x0], $0xffff;
	_ =	sdelay $0x4  }
0x10d: {  	p0 =	sne.s32 s5, $0x1;
	v3 =	vadd.s32 v1, v3;
	v2 =	vld.idx.msk [tilespmem:v2+s8+$0x0], $0xffff  }
.Ltmp2:
0x10e: {  	_ = 	snop;
	(pc) =	sbr.rel @p0 .LBB2_5-.Ltmp2, $2  }
0x10f: {  	_ =	sdelay $0x2  }
0x110: {  	s5 =	sadd.s32 $0xFFFFFFFF, s5;
	[tilespmem:v3+s9+$0x0] =	vst.idx.add.f32.msk $0xffff, v2;
	v2 =	vadd.s32 $0x8, v0  }
0x111: {  	_ =	sdelay $0x2  }
0x112: {  	s5 =	simm.s32 $0x0  }
0x113: {  	v1 =	vld.idx.msk [tilespmem:v2+s5+$0x0], $0xffff;
	_ =	sdelay $0x1  }
0x114: {  	s6 =	simm.s32 $0x1880  }
0x115: {  	v2 =	vld.idx.msk [tilespmem:v2+s6+$0x0], $0xffff  }
0x116: {  	v3 =	vlaneseq.u32  }
0x117: {  	v3 =	vand.u32 $0x3, v3  }
0x118: {  	v3 =	vmul.u32 $0x411, v3  }
0x119: {  	s7 =	simm.s32 $0x3180  }
0x11a: {  	v2 =	vadd.s32 v3, v2;
	v1 =	vld.idx.msk [tilespmem:v1+s7+$0x0], $0xffff  }
0x11b: {  	v4 =	vadd.s32 $0x9, v0;
	_ =	sdelay $0x2  }
0x11c: {  	s8 =	simm.s32 $0x3200  }
0x11d: {  	[tilespmem:v2+s8+$0x0] =	vst.idx.add.f32.msk $0xffff, v1  }
0x11e: {  	v1 =	vld.idx.msk [tilespmem:v4+s5+$0x0], $0xffff;
	_ =	sdelay $0x2  }
0x11f: {  	v2 =	vld.idx.msk [tilespmem:v4+s6+$0x0], $0xffff;
	_ =	sdelay $0x4  }
0x120: {  	v2 =	vadd.s32 v3, v2;
	v1 =	vld.idx.msk [tilespmem:v1+s7+$0x0], $0xffff  }
0x121: {  	v4 =	vadd.s32 $0xA, v0;
	_ =	sdelay $0x3  }
0x122: {  	[tilespmem:v2+s8+$0x0] =	vst.idx.add.f32.msk $0xffff, v1  }
0x123: {  	v1 =	vld.idx.msk [tilespmem:v4+s5+$0x0], $0xffff;
	_ =	sdelay $0x2  }
0x124: {  	v2 =	vld.idx.msk [tilespmem:v4+s6+$0x0], $0xffff;
	_ =	sdelay $0x4  }
0x125: {  	v2 =	vadd.s32 v3, v2;
	v1 =	vld.idx.msk [tilespmem:v1+s7+$0x0], $0xffff  }
0x126: {  	v4 =	vadd.s32 $0xB, v0;
	_ =	sdelay $0x3  }
0x127: {  	[tilespmem:v2+s8+$0x0] =	vst.idx.add.f32.msk $0xffff, v1  }
0x128: {  	v1 =	vld.idx.msk [tilespmem:v4+s5+$0x0], $0xffff;
	_ =	sdelay $0x2  }
0x129: {  	v2 =	vld.idx.msk [tilespmem:v4+s6+$0x0], $0xffff;
	_ =	sdelay $0x4  }
0x12a: {  	v2 =	vadd.s32 v3, v2;
	v1 =	vld.idx.msk [tilespmem:v1+s7+$0x0], $0xffff  }
0x12b: {  	v4 =	vadd.s32 $0xC, v0;
	_ =	sdelay $0x3  }
0x12c: {  	[tilespmem:v2+s8+$0x0] =	vst.idx.add.f32.msk $0xffff, v1  }
0x12d: {  	v1 =	vld.idx.msk [tilespmem:v4+s5+$0x0], $0xffff;
	_ =	sdelay $0x2  }
0x12e: {  	v2 =	vld.idx.msk [tilespmem:v4+s6+$0x0], $0xffff;
	_ =	sdelay $0x4  }
0x12f: {  	v2 =	vadd.s32 v3, v2;
	v1 =	vld.idx.msk [tilespmem:v1+s7+$0x0], $0xffff  }
0x130: {  	v4 =	vadd.s32 $0xD, v0;
	_ =	sdelay $0x3  }
0x131: {  	[tilespmem:v2+s8+$0x0] =	vst.idx.add.f32.msk $0xffff, v1  }
0x132: {  	v1 =	vld.idx.msk [tilespmem:v4+s5+$0x0], $0xffff;
	_ =	sdelay $0x2  }
0x133: {  	v2 =	vld.idx.msk [tilespmem:v4+s6+$0x0], $0xffff;
	_ =	sdelay $0x4  }
0x134: {  	v2 =	vadd.s32 v3, v2;
	v1 =	vld.idx.msk [tilespmem:v1+s7+$0x0], $0xffff  }
0x135: {  	v0 =	vadd.s32 $0xE, v0;
	_ =	sdelay $0x3  }
0x136: {  	[tilespmem:v2+s8+$0x0] =	vst.idx.add.f32.msk $0xffff, v1  }
0x137: {  	v1 =	vld.idx.msk [tilespmem:v0+s5+$0x0], $0xffff;
	_ =	sdelay $0x2  }
0x138: {  	v0 =	vld.idx.msk [tilespmem:v0+s6+$0x0], $0xffff;
	_ =	sdelay $0x4  }
0x139: {  	v0 =	vadd.s32 v3, v0;
	v1 =	vld.idx.msk [tilespmem:v1+s7+$0x0], $0xffff;
	_ =	sdelay $0x4  }
0x13a: {  	s5 =	simm.s32 $0x0;
	[tilespmem:v0+s8+$0x0] =	vst.idx.add.f32.msk $0xffff, v1  }
0x13b: {  	v0 =	vld [tilespmem:s5+$0x3200]  }
0x13c: {  	v1 =	vld [tilespmem:s5+$0x3611];
	_ =	sdelay $0x1  }
0x13d: {  	v2 =	vld [tilespmem:s5+$0x3A22];
	_ =	sdelay $0x2  }
0x13e: {  	s6 =	simm.s32 $0x10;
	v3 =	vld [tilespmem:s5+$0x3E33];
	v1 =	vadd.f32 v1, v0  }
0x13f: {  	v0 =	vld [tilespmem:s6+$0x3200]  }
0x140: {  	v4 =	vadd.f32 v2, v1;
	v2 =	vld [tilespmem:s6+$0x3611];
	_ =	sdelay $0x1  }
0x141: {  	v1 =	vld [tilespmem:s6+$0x3A22]  }
0x142: {  	s7 =	simm.s32 $0x80;
	v3 =	vadd.f32 v3, v4  }
.LBB2_7:
0x143: {  	s8 =	sshra.s32 s7, $0x2;
	v4 =	vld [tilespmem:s6+$0x3E33];
	p0 =	sne.s32 s7, $0xFC0  }
.Ltmp3:
0x144: {  	s7 =	sadd.s32 $0x40, s7;
	v5 =	vadd.f32 v2, v0;
	v0 =	vld [tilespmem:s8+$0x3200];
	[tilespmem:s5+$0x4280] =	vst v3;
	(pc) =	sbr.rel @p0 .LBB2_7-.Ltmp3, $4  }
0x145: {  	s5 =	smov.u32 s6;
	s6 =	smov.u32 s8;
	v2 =	vld [tilespmem:s8+$0x3611]  }
0x146: {  	v3 =	vadd.f32 v1, v5  }
0x147: {  	v1 =	vld [tilespmem:s6+$0x3A22]  }
0x148: {  	v3 =	vadd.f32 v4, v3  }
0x149: {  	v4 =	vld [tilespmem:s6+$0x3E33]  }
0x14a: {  	v0 =	vadd.f32 v2, v0;
	_ =	sdelay $0x1  }
0x14b: {  	v0 =	vadd.f32 v1, v0;
	_ =	sdelay $0x1  }
0x14c: {  	v0 =	vadd.f32 v4, v0  }
0x14d: {  	[tilespmem:s5+$0x4280] =	vst v3  }
0x14e: {  	s31 =	simm.s32 $0x80;
	s7 =	simm.s32 $0x4280;
	s5 =	simm.s32 $0x400;
	[tilespmem:s6+$0x4280] =	vst v0  }
0x14f: {  	[spmem:s4] =	stream.strided.scatter [tilespmem:s7], [sflag:$0x1], $0x400, s5, s31, $0x38;
	[tilespmem:$0x5B90] =	vst v63  }
0x150: {  	p0 =	sgt.u32 s1, $0x7;
	s4 =	simm.s32 $0x1  }
.Ltmp4:
0x151: {  	_ =	swait.ge [sflag:s4], $0x400;
	(pc) =	sbr.rel @p0 .LBB2_12-.Ltmp4, $3  }
0x152: {  	[sflag:s4] =	ssyncset.done $0x0  }
0x153: {  	[sflag:s4] =	ssyncadd.s32 $0xFFFFFC00  }
0x154: {  	[bflag:$0x0] =	sbarrier.arrive $0xFFFF;
	_ =	sdelay $0x1  }
0x155: {  	s6 =	simm.s32 $0x2000;
	s7 =	simm.s32 $0x4F00  }
0x156: {  	[tilespmem:s7], [sflag:$0x1] =	stream.strided.gather [spmem:s3], $0x800, s6, s5, $0x38;
	[tilespmem:$0x5B90] =	vst v63  }
0x157: {  	_ =	swait.ge [sflag:s4], $0x800  }
0x158: {  	[sflag:s4] =	ssyncset.done $0x0  }
0x159: {  	s31 =	simm.s32 $0x0;
	[sflag:s4] =	ssyncadd.s32 $0xFFFFF800  }
0x15a: {  	v0 =	vld [tilespmem:s31+$0x4F70]  }
0x15b: {  	v2 =	vld [tilespmem:s31+$0x4F00]  }
0x15c: {  	v3 =	vld [tilespmem:s31+$0x4F10]  }
0x15d: {  	v11 =	vld [tilespmem:s31+$0x4F20]  }
0x15e: {  	v10 =	vld [tilespmem:s31+$0x4F30]  }
0x15f: {  	v1 =	vimm.f32 $0.0e+00;
	v6 =	vimm.f32 $0.0e+00;
	v7 =	vld [tilespmem:s31+$0x4F40]  }
0x160: {  	v8 =	vimm.f32 $0.0e+00;
	v4 =	vimm.f32 $0.0e+00;
	v9 =	vld [tilespmem:s31+$0x4F50];
	v0 =	vadd.f32 v0, v1  }
0x161: {  	s3 =	simm.s32 $0x80;
	s4 =	simm.s32 $0x400;
	v12 =	vld [tilespmem:s31+$0x4F60];
	v5 =	vadd.f32 v2, v1;
	v3 =	vadd.f32 v3, v1;
	v2 =	vimm.f32 $0.0e+00  }
.LBB2_10:
0x162: {  	p0 =	sne.s32 s4, $0x1E00;
	v13 =	vld [tilespmem:s3+$0x4F70];
	v1 =	vadd.f32 v11, v1  }
0x163: {  	v14 =	vld [tilespmem:s3+$0x4F00];
	v6 =	vadd.f32 v10, v6  }
0x164: {  	v15 =	vld [tilespmem:s3+$0x4F10];
	v8 =	vadd.f32 v7, v8  }
.Ltmp5:
0x165: {  	v11 =	vld [tilespmem:s3+$0x4F20];
	v4 =	vadd.f32 v9, v4;
	(pc) =	sbr.rel @p0 .LBB2_10-.Ltmp5, $4  }
0x166: {  	v10 =	vld [tilespmem:s3+$0x4F30];
	v2 =	vadd.f32 v12, v2  }
0x167: {  	v7 =	vld [tilespmem:s3+$0x4F40];
	v0 =	vadd.f32 v13, v0  }
0x168: {  	v5 =	vadd.f32 v14, v5;
	v9 =	vld [tilespmem:s3+$0x4F50]  }
0x169: {  	v3 =	vadd.f32 v15, v3;
	v12 =	vld [tilespmem:s3+$0x4F60];
	s3 =	sshra.s32 s4, $0x2;
	s4 =	sadd.s32 $0x200, s4  }
0x16a: {  	v14 =	vld [tilespmem:s3+$0x4F00]  }
0x16b: {  	v15 =	vld [tilespmem:s3+$0x4F10]  }
0x16c: {  	v16 =	vld [tilespmem:s3+$0x4F20]  }
0x16d: {  	v17 =	vld [tilespmem:s3+$0x4F30]  }
0x16e: {  	v18 =	vld [tilespmem:s3+$0x4F40]  }
0x16f: {  	v1 =	vadd.f32 v11, v1;
	v59 =	vld [tilespmem:s3+$0x4F50];
	v5 =	vadd.f32 v14, v5  }
0x170: {  	v13 =	vld [tilespmem:s3+$0x4F70];
	v6 =	vadd.f32 v10, v6;
	v3 =	vadd.f32 v15, v3  }
0x171: {  	v60 =	vld [tilespmem:s3+$0x4F60];
	v7 =	vadd.f32 v7, v8;
	v1 =	vadd.f32 v16, v1;
	[tilespmem:$0x5700] =	vst v5  }
0x172: {  	v4 =	vadd.f32 v9, v4;
	v61 =	vadd.f32 v17, v6;
	[tilespmem:$0x5710] =	vst v3  }
0x173: {  	v62 =	vadd.f32 v18, v7;
	[tilespmem:$0x5720] =	vst v1  }
0x174: {  	v2 =	vadd.f32 v12, v2;
	v63 =	vadd.f32 v59, v4;
	[tilespmem:$0x5730] =	vst v61  }
0x175: {  	v0 =	vadd.f32 v13, v0;
	[tilespmem:$0x5740] =	vst v62  }
0x176: {  	v2 =	vadd.f32 v60, v2;
	[tilespmem:$0x5750] =	vst v63  }
0x177: {  	[tilespmem:$0x5770] =	vst v0  }
0x178: {  	s30 =	simm.s32 $0x0;
	s4 =	simm.s32 $0x5700;
	s31 =	simm.s32 $0x1;
	[tilespmem:$0x5760] =	vst v2  }
0x179: {  	[hbm4b:s2+s30] =	stream.linear.scatter [tilespmem:s4], [sflag:$0x1], $0x80, $0x38;
	[tilespmem:$0x5B90] =	vst v63  }
0x17a: {  	_ =	swait.ge [sflag:s31], $0x80  }
0x17b: {  	[sflag:s31] =	ssyncset.done $0x0  }
0x17c: {  	[sflag:s31] =	ssyncadd.s32 $0xFFFFFF80  }
.LBB2_12:
0x17d: {  	_ =	sfence.sel $0x180000  }
0x17e: {  	[bflag:$0x0] =	sbarrier.arrive $0xFFFF  }
0x17f: {  	p0 =	sne.s32 s1, $0x0;
	_ =	strace $0x90000047  }
0x180: {  	s0 =	sadd.s32 @!p0 $0x100000, s0;
	[bflag:$0x2] =	sbarrier.arrive $0xFFFF  }
0x181: {  	[sflag:s0] =	ssyncadd.tile.s32 @!p0 $0x1;
	_ =	shalt  }
.Lfunc_end2:
_tile_overlayer_lowered:
.L_overlay_start_2:
0x182: {  	(tag) =	ssettag $0x2  }
0x183: {  	s0 =	rddreg [dreg:$0x0];
	s2 =	stileid.u32  }
0x184: {  	s1 =	rddreg [dreg:$0x1];
	p0 =	sne.s32 s2, $0x0  }
0x185: {  	s3 =	rddreg [dreg:$0x2];
	[bflag:$0x3] =	sbarrier.arrive $0xFFFF;
	s2 =	simm.s32 @!p0 $0x1C01  }
0x186: {  	[timem:s3], [sflag:s2] =	dma.local @!p0 [hbm:s0], s1  }
0x187: {  	s0 =	simm.s32 @!p0 $0x1  }
0x188: {  	_ =	swait.ge @!p0 [sflag:s0], s1  }
0x189: {  	s1 =	ssub.s32 @!p0 $0x0, s1;
	[sflag:s0] =	ssyncset.done @!p0 $0x0  }
0x18a: {  	[sflag:s0] =	ssyncadd.s32 @!p0 s1  }
0x18b: {  	[bflag:$0x3] =	sbarrier.arrive $0xFFFF  }
0x18c: {  	_ =	shalt  }

</sc_bundles>
